<compile_context>
chip_gen: v7x
topology: tpu7x:2x2x1
jax: 0.10.2.dev20260603
libtpu: 0.0.44.dev20260713+nightly
codegen_flags: <defaults>
</compile_context>

<pallas_src>
import functools

import jax
import jax.numpy as jnp
from jax import lax
from jax.experimental import pallas as pl
from jax.experimental.pallas import tpu as pltpu
from jax.experimental.pallas import tpu_sc as plsc

F32 = jnp.float32

_N_SUB = 5000
_N_STRUCT = 10000
_D = 128
_NCLS = 64

_NZ_C = 5120
_NZ_S = 10240

_CH = 128


def _pad_rows(x, nz):
    return jnp.pad(x, ((0, nz - x.shape[0]), (0, 0)))


@functools.partial(jax.jit, static_argnums=(1,))
def _deg_partials(dst_pad, np_acc):
    e_pad = dst_pad.shape[0]
    per_w = e_pad // 32
    cw = np_acc // 16

    mesh = plsc.VectorSubcoreMesh(core_axis_name="c", subcore_axis_name="s")

    @functools.partial(
        pl.kernel,
        out_type=jax.ShapeDtypeStruct((2 * np_acc,), F32),
        mesh=mesh,
        scratch_types=[
            pltpu.VMEM((per_w,), jnp.int32),
            pltpu.VMEM((np_acc,), F32),
            pltpu.VMEM((16 * cw,), F32),
            pltpu.VMEM((cw,), F32),
            pltpu.VMEM_SHARED((16 * np_acc,), F32),
        ],
        compiler_params=pltpu.CompilerParams(needs_layout_passes=False),
    )
    def k(dst_hbm, out_hbm, idx_v, acc_v, part_v, res_v, sh):
        c = lax.axis_index("c")
        s = lax.axis_index("s")
        w = s * 2 + c
        zero16 = jnp.zeros((16,), F32)
        one16 = jnp.full((16,), 1.0, F32)

        def zbody(i, carry):
            acc_v[pl.ds(i * 16, 16)] = zero16
            return carry
        lax.fori_loop(0, np_acc // 16, zbody, 0)

        pltpu.sync_copy(dst_hbm.at[pl.ds(w * per_w, per_w)], idx_v)

        def cbody(i, carry):
            idx = idx_v[pl.ds(i * 16, 16)]
            plsc.addupdate_scatter(acc_v, [idx], one16)
            return carry
        lax.fori_loop(0, per_w // 16, cbody, 0)

        pltpu.sync_copy(acc_v, sh.at[pl.ds(s * np_acc, np_acc)])
        plsc.subcore_barrier()

        for r in range(16):
            pltpu.sync_copy(sh.at[pl.ds(r * np_acc + s * cw, cw)],
                            part_v.at[pl.ds(r * cw, cw)])
        for j in range(cw // 16):
            v = part_v[pl.ds(j * 16, 16)]
            for r in range(1, 16):
                v = v + part_v[pl.ds(r * cw + j * 16, 16)]
            res_v[pl.ds(j * 16, 16)] = v
        pltpu.sync_copy(res_v, out_hbm.at[pl.ds(c * np_acc + s * cw, cw)])

    return k(dst_pad).reshape(2, np_acc)


@functools.partial(jax.jit, static_argnums=())
def _sc_gather(table, ids):
    g = ids.shape[0]
    per_w = g // 32
    n_ch = per_w // 32

    mesh = plsc.VectorSubcoreMesh(core_axis_name="c", subcore_axis_name="s")

    @functools.partial(
        pl.kernel,
        out_type=jax.ShapeDtypeStruct((g, _D), F32),
        mesh=mesh,
        scratch_types=[
            pltpu.VMEM((per_w,), jnp.int32),
            pltpu.VMEM((32, _D), F32),
            pltpu.SemaphoreType.DMA,
        ],
        compiler_params=pltpu.CompilerParams(needs_layout_passes=False),
    )
    def k(table_hbm, ids_hbm, out_hbm, idx_v, rows_v, sem):
        c = lax.axis_index("c")
        s = lax.axis_index("s")
        w = s * 2 + c
        pltpu.sync_copy(ids_hbm.at[pl.ds(w * per_w, per_w)], idx_v)

        def body(j, carry):
            pltpu.async_copy(table_hbm.at[idx_v.at[pl.ds(j * 32, 32)]],
                             rows_v, sem).wait()
            pltpu.sync_copy(rows_v, out_hbm.at[pl.ds(w * per_w + j * 32, 32)])
            return carry
        lax.fori_loop(0, n_ch, body, 0)

    return k(table, ids)


@functools.partial(jax.jit, static_argnums=())
def _sc_edge_pass(y, src1d, dst1d):
    nz = y.shape[0]
    e_pad = src1d.shape[0]
    per_w = e_pad // 32
    n_chunks = per_w // _CH
    rows_pt = nz // 16

    mesh = plsc.VectorSubcoreMesh(core_axis_name="c", subcore_axis_name="s")

    @functools.partial(
        pl.kernel,
        out_type=jax.ShapeDtypeStruct((2, nz, _D), F32),
        mesh=mesh,
        scratch_types=[
            pltpu.VMEM((_CH,), jnp.int32),
            pltpu.VMEM((_CH,), jnp.int32),
            pltpu.VMEM((_CH, _D), F32),
            pltpu.VMEM_SHARED((nz, _D), F32),
            pltpu.SemaphoreType.DMA,
        ],
        compiler_params=pltpu.CompilerParams(needs_layout_passes=False),
    )
    def k(y_hbm, src_hbm, dst_hbm, out_hbm, src_c, dst_c, rows_v, z_sh, sem):
        c = lax.axis_index("c")
        s = lax.axis_index("s")
        w = s * 2 + c
        ebase = w * per_w
        rbase = s * rows_pt
        pltpu.sync_copy(y_hbm.at[pl.ds(rbase, rows_pt)],
                        z_sh.at[pl.ds(rbase, rows_pt)])
        plsc.subcore_barrier()

        def body(j, carry):
            pltpu.sync_copy(src_hbm.at[pl.ds(ebase + j * _CH, _CH)], src_c)
            pltpu.sync_copy(dst_hbm.at[pl.ds(ebase + j * _CH, _CH)], dst_c)
            pltpu.async_copy(y_hbm.at[src_c], rows_v, sem).wait()
            pltpu.sync_copy(rows_v, z_sh.at[dst_c], add=True)
            return carry
        lax.fori_loop(0, n_chunks, body, 0)

        plsc.subcore_barrier()
        pltpu.sync_copy(z_sh.at[pl.ds(rbase, rows_pt)],
                        out_hbm.at[c].at[pl.ds(rbase, rows_pt)])

    return k(y, src1d, dst1d)


def _tc_pre(h, sg, dinv2d, w):
    nz = h.shape[0]
    dout = w.shape[1]
    bm = 512
    nb = nz // bm

    def body(h_ref, sg_ref, dv_ref, w_ref, o_ref):
        wb = w_ref[...]
        acc = jnp.dot(h_ref[...], wb[:_D], preferred_element_type=F32)
        acc = acc + jnp.dot(sg_ref[...], wb[_D:], preferred_element_type=F32)
        o_ref[...] = dv_ref[...] * acc

    return pl.pallas_call(
        body,
        grid=(nb,),
        in_specs=[
            pl.BlockSpec((bm, _D), lambda i: (i, 0)),
            pl.BlockSpec((bm, _D), lambda i: (i, 0)),
            pl.BlockSpec((bm, _D), lambda i: (i, 0)),
            pl.BlockSpec((2 * _D, dout), lambda i: (0, 0)),
        ],
        out_specs=pl.BlockSpec((bm, dout), lambda i: (i, 0)),
        out_shape=jax.ShapeDtypeStruct((nz, dout), F32),
    )(h, sg, dinv2d, w)


def _tc_pre_struct(sp, dinv2d, w):
    nz = sp.shape[0]
    bm = 512
    nb = nz // bm

    def body(s_ref, dv_ref, w_ref, o_ref):
        acc = jnp.dot(s_ref[...], w_ref[...], preferred_element_type=F32)
        o_ref[...] = dv_ref[...] * acc

    return pl.pallas_call(
        body,
        grid=(nb,),
        in_specs=[
            pl.BlockSpec((bm, _D), lambda i: (i, 0)),
            pl.BlockSpec((bm, _D), lambda i: (i, 0)),
            pl.BlockSpec((_D, _D), lambda i: (0, 0)),
        ],
        out_specs=pl.BlockSpec((bm, _D), lambda i: (i, 0)),
        out_shape=jax.ShapeDtypeStruct((nz, _D), F32),
    )(sp, dinv2d, w)


def _tc_post(z, y, dinv2d, b2d, mode):
    nz = y.shape[0]
    bm = 512
    nb = nz // bm
    dout = _NCLS if mode == "softmax" else _D

    def body(z_ref, y_ref, dv_ref, b_ref, o_ref):
        t = z_ref[0] + z_ref[1] - y_ref[...]
        hh = dv_ref[...] * t + b_ref[...]
        if mode == "relu":
            o_ref[...] = jnp.maximum(hh, 0.0)
        elif mode == "none":
            o_ref[...] = hh
        else:
            l = hh[:, :_NCLS]
            m = jnp.max(l, axis=1, keepdims=True)
            e = jnp.exp(l - m)
            o_ref[...] = e / jnp.sum(e, axis=1, keepdims=True)

    return pl.pallas_call(
        body,
        grid=(nb,),
        in_specs=[
            pl.BlockSpec((2, bm, _D), lambda i: (0, i, 0)),
            pl.BlockSpec((bm, _D), lambda i: (i, 0)),
            pl.BlockSpec((bm, _D), lambda i: (i, 0)),
            pl.BlockSpec((1, _D), lambda i: (0, 0)),
        ],
        out_specs=pl.BlockSpec((bm, dout), lambda i: (i, 0)),
        out_shape=jax.ShapeDtypeStruct((nz, dout), F32),
    )(z, y, dinv2d, b2d)


def _prep_edges(edge_index, n):
    src, dst = edge_index[0], edge_index[1]
    e = src.shape[0]
    e_pad = ((e + 32 * _CH - 1) // (32 * _CH)) * (32 * _CH)
    src_p = jnp.pad(src.astype(jnp.int32), (0, e_pad - e))
    dst_p = jnp.pad(dst.astype(jnp.int32), (0, e_pad - e),
                    constant_values=jnp.int32(n))
    return (src_p, dst_p)


def _dinv2d_of(deg_partials_2xn, n, nz):
    deg = deg_partials_2xn[0, :n] + deg_partials_2xn[1, :n] + 1.0
    dinv = lax.rsqrt(deg)
    dinv = jnp.pad(dinv, (0, nz - n), constant_values=1.0)
    return jnp.broadcast_to(dinv[:, None], (nz, _D))


def _pad_w(w, b):
    wp = jnp.pad(w, ((0, 0), (0, _D - w.shape[1])))
    bp = jnp.pad(b, (0, _D - b.shape[0]))
    return wp, bp


def kernel(sub0_x, sub1_x, structural_features, sub0_node_ids, sub1_node_ids,
           sub0_edge_index, sub1_edge_index, struct_edge_index,
           c0_W0, c0_b0, c0_W1, c0_b1, c0_W2, c0_b2,
           c1_W0, c1_b0, c1_W1, c1_b1, c1_W2, c1_b2,
           s_W0, s_b0, s_W1, s_b1):
    c0_W2, c0_b2 = _pad_w(c0_W2, c0_b2)
    c1_W2, c1_b2 = _pad_w(c1_W2, c1_b2)
    cw = [[(c0_W0, c0_b0), (c0_W1, c0_b1), (c0_W2, c0_b2)],
          [(c1_W0, c1_b0), (c1_W1, c1_b1), (c1_W2, c1_b2)]]
    sw = [(s_W0, s_b0), (s_W1, s_b1)]

    h = [_pad_rows(sub0_x, _NZ_C), _pad_rows(sub1_x, _NZ_C)]
    sp = _pad_rows(structural_features, _NZ_S)
    ids_p = [
        jnp.pad(sub0_node_ids.astype(jnp.int32), (0, _NZ_C - _N_SUB)),
        jnp.pad(sub1_node_ids.astype(jnp.int32), (0, _NZ_C - _N_SUB)),
    ]
    edges = [_prep_edges(sub0_edge_index, _N_SUB),
             _prep_edges(sub1_edge_index, _N_SUB),
             _prep_edges(struct_edge_index, _N_STRUCT)]

    dinv2d = []
    for gi, nn, nz in ((0, _N_SUB, _NZ_C), (1, _N_SUB, _NZ_C),
                       (2, _N_STRUCT, _NZ_S)):
        dp = _deg_partials(edges[gi][1], nz)
        dinv2d.append(_dinv2d_of(dp, nn, nz))

    for layer in range(2):
        new_h = []
        for cid in range(2):
            sg = _sc_gather(sp, ids_p[cid])
            w, b = cw[cid][layer]
            y = _tc_pre(h[cid], sg, dinv2d[cid], w)
            z = _sc_edge_pass(y, edges[cid][0], edges[cid][1])
            new_h.append(_tc_post(z, y, dinv2d[cid], b.reshape(1, -1), "relu"))
        ws, bs = sw[layer]
        ys = _tc_pre_struct(sp, dinv2d[2], ws)
        zs = _sc_edge_pass(ys, edges[2][0], edges[2][1])
        sp = _tc_post(zs, ys, dinv2d[2], bs.reshape(1, -1),
                      "relu" if layer == 0 else "none")
        h = new_h

    outs = []
    for cid in range(2):
        sg = _sc_gather(sp, ids_p[cid])
        w, b = cw[cid][2]
        y = _tc_pre(h[cid], sg, dinv2d[cid], w)
        z = _sc_edge_pass(y, edges[cid][0], edges[cid][1])
        p = _tc_post(z, y, dinv2d[cid], b.reshape(1, -1), "softmax")
        outs.append(p[:_N_SUB])

    return (sp[:_N_STRUCT], outs[0], outs[1])

# --- scband reference (transcript-rebuilt; emitter-appended) ---
"""Pipeline reference for scband-joint-model-19129784336550 (READ-ONLY COPY).

The authoritative reference and input builder live on the scoring server;
editing this copy changes nothing except your own understanding.
"""

import jax, jax.numpy as jnp
import numpy as np

N_STRUCT = 10000
N_SUB = 5000
E_SUB = 160000
E_STRUCT = 320000
D = 128
NCLS = 64


def _glorot(key, fan_in, fan_out):
    lim = (6.0 / (fan_in + fan_out)) ** 0.5
    return jax.random.uniform(key, (fan_in, fan_out), minval=-lim, maxval=lim, dtype=jnp.float32)


def setup_inputs(seed: int = 0) -> dict:
    key = jax.random.key(seed)
    ks = jax.random.split(key, 40)
    inp = {}
    inp['sub0_x'] = jax.random.normal(ks[0], (N_SUB, D), dtype=jnp.float32)
    inp['sub1_x'] = jax.random.normal(ks[1], (N_SUB, D), dtype=jnp.float32)
    inp['structural_features'] = jax.random.normal(ks[2], (N_STRUCT, D), dtype=jnp.float32)
    inp['sub0_node_ids'] = jax.random.randint(ks[3], (N_SUB,), 0, N_STRUCT)
    inp['sub1_node_ids'] = jax.random.randint(ks[4], (N_SUB,), 0, N_STRUCT)
    inp['sub0_edge_index'] = jax.random.randint(ks[5], (2, E_SUB), 0, N_SUB)
    inp['sub1_edge_index'] = jax.random.randint(ks[6], (2, E_SUB), 0, N_SUB)
    inp['struct_edge_index'] = jax.random.randint(ks[7], (2, E_STRUCT), 0, N_STRUCT)
    # client GNN params: layer l has input dim client_dim + struct_dim = 256
    cin = [2 * D, 2 * D, 2 * D]
    cout = [D, D, NCLS]
    k = 8
    for cid in range(2):
        for l in range(3):
            inp[f'c{cid}_W{l}'] = _glorot(ks[k], cin[l], cout[l]); k += 1
            inp[f'c{cid}_b{l}'] = jnp.zeros((cout[l],), dtype=jnp.float32)
    for l in range(2):
        inp[f's_W{l}'] = _glorot(ks[k], D, D); k += 1
        inp[f's_b{l}'] = jnp.zeros((D,), dtype=jnp.float32)
    return inp


def gcn_conv(x, edge_index, W, b):
    n = x.shape[0]
    loops = jnp.arange(n, dtype=edge_index.dtype)
    src = jnp.concatenate([edge_index[0], loops])
    dst = jnp.concatenate([edge_index[1], loops])
    deg = jnp.zeros((n,), dtype=x.dtype).at[dst].add(1.0)
    dinv = jax.lax.rsqrt(jnp.maximum(deg, 1.0))
    xw = x @ W
    coef = (dinv[src] * dinv[dst])[:, None]
    out = jnp.zeros((n, W.shape[1]), dtype=x.dtype).at[dst].add(xw[src] * coef)
    return out + b


def _forward(sub0_x, sub1_x, S, sub0_node_ids, sub1_node_ids, sub0_edge_index, sub1_edge_index, struct_edge_index, cw, sw):
    H = [sub0_x, sub1_x]
    node_ids = [sub0_node_ids, sub1_node_ids]
    eidx = [sub0_edge_index, sub1_edge_index]
    num_layers = 2
    for layer in range(num_layers):
        for cid in range(2):
            x_s = S[node_ids[cid]]
            x = jnp.hstack((H[cid], x_s))
            W, b = cw[cid][layer]
            H[cid] = jax.nn.relu(gcn_conv(x, eidx[cid], W, b))
        Ws, bs = sw[layer]
        S = gcn_conv(S, struct_edge_index, Ws, bs)
        if layer != num_layers - 1:
            S = jax.nn.relu(S)
    outs = []
    for cid in range(2):
        x_s = S[node_ids[cid]]
        x = jnp.hstack((H[cid], x_s))
        W, b = cw[cid][num_layers]
        h = gcn_conv(x, eidx[cid], W, b)
        outs.append(jax.nn.softmax(h, axis=1))
    return (S, outs[0], outs[1])


def reference(sub0_x, sub1_x, structural_features,
              sub0_node_ids, sub1_node_ids,
              sub0_edge_index, sub1_edge_index, struct_edge_index,
              c0_W0, c0_b0, c0_W1, c0_b1, c0_W2, c0_b2,
              c1_W0, c1_b0, c1_W1, c1_b1, c1_W2, c1_b2,
              s_W0, s_b0, s_W1, s_b1):
    cw = [[(c0_W0, c0_b0), (c0_W1, c0_b1), (c0_W2, c0_b2)],
          [(c1_W0, c1_b0), (c1_W1, c1_b1), (c1_W2, c1_b2)]]
    sw = [(s_W0, s_b0), (s_W1, s_b1)]
    return _forward(sub0_x, sub1_x, structural_features,
                    sub0_node_ids, sub1_node_ids,
                    sub0_edge_index, sub1_edge_index, struct_edge_index,
                    cw, sw)

if __name__ == "__main__":
    import jax
    _d = setup_inputs()
    print(jax.jit(kernel)(*tuple(_d.values())))

</pallas_src>

<mosaic_0001>
#map = affine_map<(d0, d1) -> (0)>
module attributes {stable_mosaic.version = 14 : i64} {
  func.func @k(%arg0: i32, %arg1: i32, %arg2: memref<163840xi32, #tpu.memory_space<hbm>>, %arg3: memref<10240xf32, #tpu.memory_space<hbm>>, %arg4: memref<5120xi32, #tpu.memory_space<vmem>>, %arg5: memref<5120xf32, #tpu.memory_space<vmem>>, %arg6: memref<5120xf32, #tpu.memory_space<vmem>>, %arg7: memref<320xf32, #tpu.memory_space<vmem>>, %arg8: memref<81920xf32, #tpu.memory_space<vmem_shared>>) attributes {dimension_semantics = [#tpu.dimension_semantics<core_parallel>, #tpu.dimension_semantics<subcore_parallel>], iteration_bounds = array<i64: 2, 16>, scalar_prefetch = 0 : i64, scratch_operands = 5 : i64, tpu.core_type = #tpu.core_type<sc_vector_subcore>, window_params = [{transform_indices = #map}, {transform_indices = #map}]} {
    %mul3A = arith.constant 2 : i32
    %mul3A_0 = arith.muli %arg1, %mul3A : i32
    %add3A = arith.addi %mul3A_0, %arg0 : i32
    %broadcast_in_dim3A = arith.constant 0.000000e+00 : f32
    %broadcast_in_dim3A_1 = vector.broadcast %broadcast_in_dim3A : f32 to vector<16xf32>
    %broadcast_in_dim3A_2 = arith.constant 1.000000e+00 : f32
    %broadcast_in_dim3A_3 = vector.broadcast %broadcast_in_dim3A_2 : f32 to vector<16xf32>
    %scan3A = arith.constant 0 : i32
    %scan3A_4 = arith.constant 0 : i32
    %scan3A_5 = arith.constant 320 : i32
    %scan3A_6 = arith.addi %scan3A_4, %scan3A_5 : i32
    %scan3A_7 = arith.constant 1 : i32
    scf.for %scan3A_1066 = %scan3A_4 to %scan3A_6 step %scan3A_7  : i32 {
      %mul3A_1067 = arith.constant 16 : i32
      %mul3A_1068 = arith.muli %scan3A_1066, %mul3A_1067 : i32
      %swap3A_1069 = arith.index_cast %mul3A_1068 : i32 to index
      %swap3A_1070 = tpu.vector_load %arg5[%swap3A_1069] {strides = array<i32>} : memref<5120xf32, #tpu.memory_space<vmem>>, vector<16xf32>,
      tpu.vector_store %arg5[%swap3A_1069], %broadcast_in_dim3A_1 {strides = array<i32>} : memref<5120xf32, #tpu.memory_space<vmem>>, vector<16xf32>,
    }
    %scan3A_8 = arith.constant 320 : i32
    %mul3A_9 = arith.constant 5120 : i32
    %mul3A_10 = arith.muli %add3A, %mul3A_9 : i32
    "tpu.region"() ({
      %run_scoped3A = tpu.sem_alloc : memref<!tpu.dma_semaphore, #tpu.memory_space<semaphore_mem>>
      %dma_start3A = tpu.memref_slice %arg2[%mul3A_10] : memref<163840xi32, #tpu.memory_space<hbm>> -> memref<5120xi32, #tpu.memory_space<hbm>>
      %dma_start3A_1066 = tpu.memref_slice %arg2[%mul3A_10] : memref<163840xi32, #tpu.memory_space<hbm>> -> memref<5120xi32, #tpu.memory_space<hbm>>
      tpu.enqueue_dma source(%dma_start3A_1066 : memref<5120xi32, #tpu.memory_space<hbm>>) target(%arg4 : memref<5120xi32, #tpu.memory_space<vmem>>) target_semaphore(%run_scoped3A : memref<!tpu.dma_semaphore, #tpu.memory_space<semaphore_mem>>)
      %dma_wait3A = tpu.memref_slice %arg2[%mul3A_10] : memref<163840xi32, #tpu.memory_space<hbm>> -> memref<5120xi32, #tpu.memory_space<hbm>>
      %dma_wait3A_1067 = tpu.memref_slice %arg2[%mul3A_10] : memref<163840xi32, #tpu.memory_space<hbm>> -> memref<5120xi32, #tpu.memory_space<hbm>>
      tpu.wait_dma2 semaphore(%run_scoped3A : memref<!tpu.dma_semaphore, #tpu.memory_space<semaphore_mem>>) src(%dma_wait3A_1067 : memref<5120xi32, #tpu.memory_space<hbm>>) dst(%arg4 : memref<5120xi32, #tpu.memory_space<vmem>>)
      tpu.yield
    }) : () -> ()
    %scan3A_11 = arith.constant 0 : i32
    %scan3A_12 = arith.constant 0 : i32
    %scan3A_13 = arith.constant 320 : i32
    %scan3A_14 = arith.addi %scan3A_12, %scan3A_13 : i32
    %scan3A_15 = arith.constant 1 : i32
    scf.for %scan3A_1066 = %scan3A_12 to %scan3A_14 step %scan3A_15  : i32 {
      %mul3A_1067 = arith.constant 16 : i32
      %mul3A_1068 = arith.muli %scan3A_1066, %mul3A_1067 : i32
      %get3A_1069 = arith.index_cast %mul3A_1068 : i32 to index
      %get3A_1070 = tpu.vector_load %arg4[%get3A_1069] {strides = array<i32>} : memref<5120xi32, #tpu.memory_space<vmem>>, vector<16xi32>,
      tpu.vector_store_idx %arg5[%get3A_1070], %broadcast_in_dim3A_3 {add = true} : memref<5120xf32, #tpu.memory_space<vmem>>[vector<16xi32>], vector<16xf32>,
    }
    %scan3A_16 = arith.constant 320 : i32
    %mul3A_17 = arith.constant 5120 : i32
    %mul3A_18 = arith.muli %arg1, %mul3A_17 : i32
    "tpu.region"() ({
      %run_scoped3A = tpu.sem_alloc : memref<!tpu.dma_semaphore, #tpu.memory_space<semaphore_mem>>
      %dma_start3A = tpu.memref_slice %arg8[%mul3A_18] : memref<81920xf32, #tpu.memory_space<vmem_shared>> -> memref<5120xf32, #tpu.memory_space<vmem_shared>>
      %dma_start3A_1066 = tpu.memref_slice %arg8[%mul3A_18] : memref<81920xf32, #tpu.memory_space<vmem_shared>> -> memref<5120xf32, #tpu.memory_space<vmem_shared>>
      tpu.enqueue_dma source(%arg5 : memref<5120xf32, #tpu.memory_space<vmem>>) target(%dma_start3A_1066 : memref<5120xf32, #tpu.memory_space<vmem_shared>>) target_semaphore(%run_scoped3A : memref<!tpu.dma_semaphore, #tpu.memory_space<semaphore_mem>>)
      %dma_wait3A = tpu.memref_slice %arg8[%mul3A_18] : memref<81920xf32, #tpu.memory_space<vmem_shared>> -> memref<5120xf32, #tpu.memory_space<vmem_shared>>
      %dma_wait3A_1067 = tpu.memref_slice %arg8[%mul3A_18] : memref<81920xf32, #tpu.memory_space<vmem_shared>> -> memref<5120xf32, #tpu.memory_space<vmem_shared>>
      tpu.wait_dma2 semaphore(%run_scoped3A : memref<!tpu.dma_semaphore, #tpu.memory_space<semaphore_mem>>) src(%arg5 : memref<5120xf32, #tpu.memory_space<vmem>>) dst(%dma_wait3A_1067 : memref<5120xf32, #tpu.memory_space<vmem_shared>>)
      tpu.yield
    }) : () -> ()
    %barrier3A = arith.constant 0 : index
    tpu.barrier barrier_id(%barrier3A)
    %mul3A_19 = arith.constant 320 : i32
    %mul3A_20 = arith.muli %arg1, %mul3A_19 : i32
    %add3A_21 = arith.constant 0 : i32
    %add3A_22 = arith.addi %add3A_21, %mul3A_20 : i32
    "tpu.region"() ({
      %run_scoped3A = tpu.sem_alloc : memref<!tpu.dma_semaphore, #tpu.memory_space<semaphore_mem>>
      %dma_start3A = arith.constant 0 : i32
      %dma_start3A_1066 = tpu.memref_slice %arg6[%dma_start3A] : memref<5120xf32, #tpu.memory_space<vmem>> -> memref<320xf32, #tpu.memory_space<vmem>>
      %dma_start3A_1067 = tpu.memref_slice %arg8[%add3A_22] : memref<81920xf32, #tpu.memory_space<vmem_shared>> -> memref<320xf32, #tpu.memory_space<vmem_shared>>
      %dma_start3A_1068 = arith.constant 0 : i32
      %dma_start3A_1069 = tpu.memref_slice %arg6[%dma_start3A_1068] : memref<5120xf32, #tpu.memory_space<vmem>> -> memref<320xf32, #tpu.memory_space<vmem>>
      %dma_start3A_1070 = tpu.memref_slice %arg8[%add3A_22] : memref<81920xf32, #tpu.memory_space<vmem_shared>> -> memref<320xf32, #tpu.memory_space<vmem_shared>>
      tpu.enqueue_dma source(%dma_start3A_1070 : memref<320xf32, #tpu.memory_space<vmem_shared>>) target(%dma_start3A_1069 : memref<320xf32, #tpu.memory_space<vmem>>) target_semaphore(%run_scoped3A : memref<!tpu.dma_semaphore, #tpu.memory_space<semaphore_mem>>)
      %dma_wait3A = arith.constant 0 : i32
      %dma_wait3A_1071 = tpu.memref_slice %arg6[%dma_wait3A] : memref<5120xf32, #tpu.memory_space<vmem>> -> memref<320xf32, #tpu.memory_space<vmem>>
      %dma_wait3A_1072 = tpu.memref_slice %arg8[%add3A_22] : memref<81920xf32, #tpu.memory_space<vmem_shared>> -> memref<320xf32, #tpu.memory_space<vmem_shared>>
      %dma_wait3A_1073 = arith.constant 0 : i32
      %dma_wait3A_1074 = tpu.memref_slice %arg6[%dma_wait3A_1073] : memref<5120xf32, #tpu.memory_space<vmem>> -> memref<320xf32, #tpu.memory_space<vmem>>
      %dma_wait3A_1075 = tpu.memref_slice %arg8[%add3A_22] : memref<81920xf32, #tpu.memory_space<vmem_shared>> -> memref<320xf32, #tpu.memory_space<vmem_shared>>
      tpu.wait_dma2 semaphore(%run_scoped3A : memref<!tpu.dma_semaphore, #tpu.memory_space<semaphore_mem>>) src(%dma_wait3A_1075 : memref<320xf32, #tpu.memory_space<vmem_shared>>) dst(%dma_wait3A_1074 : memref<320xf32, #tpu.memory_space<vmem>>)
      tpu.yield
    }) : () -> ()
    %mul3A_23 = arith.constant 320 : i32
    %mul3A_24 = arith.muli %arg1, %mul3A_23 : i32
    %add3A_25 = arith.constant 5120 : i32
    %add3A_26 = arith.addi %add3A_25, %mul3A_24 : i32
    "tpu.region"() ({
      %run_scoped3A = tpu.sem_alloc : memref<!tpu.dma_semaphore, #tpu.memory_space<semaphore_mem>>
      %dma_start3A = arith.constant 320 : i32
      %dma_start3A_1066 = tpu.memref_slice %arg6[%dma_start3A] : memref<5120xf32, #tpu.memory_space<vmem>> -> memref<320xf32, #tpu.memory_space<vmem>>
      %dma_start3A_1067 = tpu.memref_slice %arg8[%add3A_26] : memref<81920xf32, #tpu.memory_space<vmem_shared>> -> memref<320xf32, #tpu.memory_space<vmem_shared>>
      %dma_start3A_1068 = arith.constant 320 : i32
      %dma_start3A_1069 = tpu.memref_slice %arg6[%dma_start3A_1068] : memref<5120xf32, #tpu.memory_space<vmem>> -> memref<320xf32, #tpu.memory_space<vmem>>
      %dma_start3A_1070 = tpu.memref_slice %arg8[%add3A_26] : memref<81920xf32, #tpu.memory_space<vmem_shared>> -> memref<320xf32, #tpu.memory_space<vmem_shared>>
      tpu.enqueue_dma source(%dma_start3A_1070 : memref<320xf32, #tpu.memory_space<vmem_shared>>) target(%dma_start3A_1069 : memref<320xf32, #tpu.memory_space<vmem>>) target_semaphore(%run_scoped3A : memref<!tpu.dma_semaphore, #tpu.memory_space<semaphore_mem>>)
      %dma_wait3A = arith.constant 320 : i32
      %dma_wait3A_1071 = tpu.memref_slice %arg6[%dma_wait3A] : memref<5120xf32, #tpu.memory_space<vmem>> -> memref<320xf32, #tpu.memory_space<vmem>>
      %dma_wait3A_1072 = tpu.memref_slice %arg8[%add3A_26] : memref<81920xf32, #tpu.memory_space<vmem_shared>> -> memref<320xf32, #tpu.memory_space<vmem_shared>>
      %dma_wait3A_1073 = arith.constant 320 : i32
      %dma_wait3A_1074 = tpu.memref_slice %arg6[%dma_wait3A_1073] : memref<5120xf32, #tpu.memory_space<vmem>> -> memref<320xf32, #tpu.memory_space<vmem>>
      %dma_wait3A_1075 = tpu.memref_slice %arg8[%add3A_26] : memref<81920xf32, #tpu.memory_space<vmem_shared>> -> memref<320xf32, #tpu.memory_space<vmem_shared>>
      tpu.wait_dma2 semaphore(%run_scoped3A : memref<!tpu.dma_semaphore, #tpu.memory_space<semaphore_mem>>) src(%dma_wait3A_1075 : memref<320xf32, #tpu.memory_space<vmem_shared>>) dst(%dma_wait3A_1074 : memref<320xf32, #tpu.memory_space<vmem>>)
      tpu.yield
    }) : () -> ()
    %mul3A_27 = arith.constant 320 : i32
    %mul3A_28 = arith.muli %arg1, %mul3A_27 : i32
    %add3A_29 = arith.constant 10240 : i32
    %add3A_30 = arith.addi %add3A_29, %mul3A_28 : i32
    "tpu.region"() ({
      %run_scoped3A = tpu.sem_alloc : memref<!tpu.dma_semaphore, #tpu.memory_space<semaphore_mem>>
      %dma_start3A = arith.constant 640 : i32
      %dma_start3A_1066 = tpu.memref_slice %arg6[%dma_start3A] : memref<5120xf32, #tpu.memory_space<vmem>> -> memref<320xf32, #tpu.memory_space<vmem>>
      %dma_start3A_1067 = tpu.memref_slice %arg8[%add3A_30] : memref<81920xf32, #tpu.memory_space<vmem_shared>> -> memref<320xf32, #tpu.memory_space<vmem_shared>>
      %dma_start3A_1068 = arith.constant 640 : i32
      %dma_start3A_1069 = tpu.memref_slice %arg6[%dma_start3A_1068] : memref<5120xf32, #tpu.memory_space<vmem>> -> memref<320xf32, #tpu.memory_space<vmem>>
      %dma_start3A_1070 = tpu.memref_slice %arg8[%add3A_30] : memref<81920xf32, #tpu.memory_space<vmem_shared>> -> memref<320xf32, #tpu.memory_space<vmem_shared>>
      tpu.enqueue_dma source(%dma_start3A_1070 : memref<320xf32, #tpu.memory_space<vmem_shared>>) target(%dma_start3A_1069 : memref<320xf32, #tpu.memory_space<vmem>>) target_semaphore(%run_scoped3A : memref<!tpu.dma_semaphore, #tpu.memory_space<semaphore_mem>>)
      %dma_wait3A = arith.constant 640 : i32
      %dma_wait3A_1071 = tpu.memref_slice %arg6[%dma_wait3A] : memref<5120xf32, #tpu.memory_space<vmem>> -> memref<320xf32, #tpu.memory_space<vmem>>
      %dma_wait3A_1072 = tpu.memref_slice %arg8[%add3A_30] : memref<81920xf32, #tpu.memory_space<vmem_shared>> -> memref<320xf32, #tpu.memory_space<vmem_shared>>
      %dma_wait3A_1073 = arith.constant 640 : i32
      %dma_wait3A_1074 = tpu.memref_slice %arg6[%dma_wait3A_1073] : memref<5120xf32, #tpu.memory_space<vmem>> -> memref<320xf32, #tpu.memory_space<vmem>>
      %dma_wait3A_1075 = tpu.memref_slice %arg8[%add3A_30] : memref<81920xf32, #tpu.memory_space<vmem_shared>> -> memref<320xf32, #tpu.memory_space<vmem_shared>>
      tpu.wait_dma2 semaphore(%run_scoped3A : memref<!tpu.dma_semaphore, #tpu.memory_space<semaphore_mem>>) src(%dma_wait3A_1075 : memref<320xf32, #tpu.memory_space<vmem_shared>>) dst(%dma_wait3A_1074 : memref<320xf32, #tpu.memory_space<vmem>>)
      tpu.yield
    }) : () -> ()
    %mul3A_31 = arith.constant 320 : i32
    %mul3A_32 = arith.muli %arg1, %mul3A_31 : i32
    %add3A_33 = arith.constant 15360 : i32
    %add3A_34 = arith.addi %add3A_33, %mul3A_32 : i32
    "tpu.region"() ({
      %run_scoped3A = tpu.sem_alloc : memref<!tpu.dma_semaphore, #tpu.memory_space<semaphore_mem>>
      %dma_start3A = arith.constant 960 : i32
      %dma_start3A_1066 = tpu.memref_slice %arg6[%dma_start3A] : memref<5120xf32, #tpu.memory_space<vmem>> -> memref<320xf32, #tpu.memory_space<vmem>>
      %dma_start3A_1067 = tpu.memref_slice %arg8[%add3A_34] : memref<81920xf32, #tpu.memory_space<vmem_shared>> -> memref<320xf32, #tpu.memory_space<vmem_shared>>
      %dma_start3A_1068 = arith.constant 960 : i32
      %dma_start3A_1069 = tpu.memref_slice %arg6[%dma_start3A_1068] : memref<5120xf32, #tpu.memory_space<vmem>> -> memref<320xf32, #tpu.memory_space<vmem>>
      %dma_start3A_1070 = tpu.memref_slice %arg8[%add3A_34] : memref<81920xf32, #tpu.memory_space<vmem_shared>> -> memref<320xf32, #tpu.memory_space<vmem_shared>>
      tpu.enqueue_dma source(%dma_start3A_1070 : memref<320xf32, #tpu.memory_space<vmem_shared>>) target(%dma_start3A_1069 : memref<320xf32, #tpu.memory_space<vmem>>) target_semaphore(%run_scoped3A : memref<!tpu.dma_semaphore, #tpu.memory_space<semaphore_mem>>)
      %dma_wait3A = arith.constant 960 : i32
      %dma_wait3A_1071 = tpu.memref_slice %arg6[%dma_wait3A] : memref<5120xf32, #tpu.memory_space<vmem>> -> memref<320xf32, #tpu.memory_space<vmem>>
      %dma_wait3A_1072 = tpu.memref_slice %arg8[%add3A_34] : memref<81920xf32, #tpu.memory_space<vmem_shared>> -> memref<320xf32, #tpu.memory_space<vmem_shared>>
      %dma_wait3A_1073 = arith.constant 960 : i32
      %dma_wait3A_1074 = tpu.memref_slice %arg6[%dma_wait3A_1073] : memref<5120xf32, #tpu.memory_space<vmem>> -> memref<320xf32, #tpu.memory_space<vmem>>
      %dma_wait3A_1075 = tpu.memref_slice %arg8[%add3A_34] : memref<81920xf32, #tpu.memory_space<vmem_shared>> -> memref<320xf32, #tpu.memory_space<vmem_shared>>
      tpu.wait_dma2 semaphore(%run_scoped3A : memref<!tpu.dma_semaphore, #tpu.memory_space<semaphore_mem>>) src(%dma_wait3A_1075 : memref<320xf32, #tpu.memory_space<vmem_shared>>) dst(%dma_wait3A_1074 : memref<320xf32, #tpu.memory_space<vmem>>)
      tpu.yield
    }) : () -> ()
    %mul3A_35 = arith.constant 320 : i32
    %mul3A_36 = arith.muli %arg1, %mul3A_35 : i32
    %add3A_37 = arith.constant 20480 : i32
    %add3A_38 = arith.addi %add3A_37, %mul3A_36 : i32
    "tpu.region"() ({
      %run_scoped3A = tpu.sem_alloc : memref<!tpu.dma_semaphore, #tpu.memory_space<semaphore_mem>>
      %dma_start3A = arith.constant 1280 : i32
      %dma_start3A_1066 = tpu.memref_slice %arg6[%dma_start3A] : memref<5120xf32, #tpu.memory_space<vmem>> -> memref<320xf32, #tpu.memory_space<vmem>>
      %dma_start3A_1067 = tpu.memref_slice %arg8[%add3A_38] : memref<81920xf32, #tpu.memory_space<vmem_shared>> -> memref<320xf32, #tpu.memory_space<vmem_shared>>
      %dma_start3A_1068 = arith.constant 1280 : i32
      %dma_start3A_1069 = tpu.memref_slice %arg6[%dma_start3A_1068] : memref<5120xf32, #tpu.memory_space<vmem>> -> memref<320xf32, #tpu.memory_space<vmem>>
      %dma_start3A_1070 = tpu.memref_slice %arg8[%add3A_38] : memref<81920xf32, #tpu.memory_space<vmem_shared>> -> memref<320xf32, #tpu.memory_space<vmem_shared>>
      tpu.enqueue_dma source(%dma_start3A_1070 : memref<320xf32, #tpu.memory_space<vmem_shared>>) target(%dma_start3A_1069 : memref<320xf32, #tpu.memory_space<vmem>>) target_semaphore(%run_scoped3A : memref<!tpu.dma_semaphore, #tpu.memory_space<semaphore_mem>>)
      %dma_wait3A = arith.constant 1280 : i32
      %dma_wait3A_1071 = tpu.memref_slice %arg6[%dma_wait3A] : memref<5120xf32, #tpu.memory_space<vmem>> -> memref<320xf32, #tpu.memory_space<vmem>>
      %dma_wait3A_1072 = tpu.memref_slice %arg8[%add3A_38] : memref<81920xf32, #tpu.memory_space<vmem_shared>> -> memref<320xf32, #tpu.memory_space<vmem_shared>>
      %dma_wait3A_1073 = arith.constant 1280 : i32
      %dma_wait3A_1074 = tpu.memref_slice %arg6[%dma_wait3A_1073] : memref<5120xf32, #tpu.memory_space<vmem>> -> memref<320xf32, #tpu.memory_space<vmem>>
      %dma_wait3A_1075 = tpu.memref_slice %arg8[%add3A_38] : memref<81920xf32, #tpu.memory_space<vmem_shared>> -> memref<320xf32, #tpu.memory_space<vmem_shared>>
      tpu.wait_dma2 semaphore(%run_scoped3A : memref<!tpu.dma_semaphore, #tpu.memory_space<semaphore_mem>>) src(%dma_wait3A_1075 : memref<320xf32, #tpu.memory_space<vmem_shared>>) dst(%dma_wait3A_1074 : memref<320xf32, #tpu.memory_space<vmem>>)
      tpu.yield
    }) : () -> ()
    %mul3A_39 = arith.constant 320 : i32
    %mul3A_40 = arith.muli %arg1, %mul3A_39 : i32
    %add3A_41 = arith.constant 25600 : i32
    %add3A_42 = arith.addi %add3A_41, %mul3A_40 : i32
    "tpu.region"() ({
      %run_scoped3A = tpu.sem_alloc : memref<!tpu.dma_semaphore, #tpu.memory_space<semaphore_mem>>
      %dma_start3A = arith.constant 1600 : i32
      %dma_start3A_1066 = tpu.memref_slice %arg6[%dma_start3A] : memref<5120xf32, #tpu.memory_space<vmem>> -> memref<320xf32, #tpu.memory_space<vmem>>
      %dma_start3A_1067 = tpu.memref_slice %arg8[%add3A_42] : memref<81920xf32, #tpu.memory_space<vmem_shared>> -> memref<320xf32, #tpu.memory_space<vmem_shared>>
      %dma_start3A_1068 = arith.constant 1600 : i32
      %dma_start3A_1069 = tpu.memref_slice %arg6[%dma_start3A_1068] : memref<5120xf32, #tpu.memory_space<vmem>> -> memref<320xf32, #tpu.memory_space<vmem>>
      %dma_start3A_1070 = tpu.memref_slice %arg8[%add3A_42] : memref<81920xf32, #tpu.memory_space<vmem_shared>> -> memref<320xf32, #tpu.memory_space<vmem_shared>>
      tpu.enqueue_dma source(%dma_start3A_1070 : memref<320xf32, #tpu.memory_space<vmem_shared>>) target(%dma_start3A_1069 : memref<320xf32, #tpu.memory_space<vmem>>) target_semaphore(%run_scoped3A : memref<!tpu.dma_semaphore, #tpu.memory_space<semaphore_mem>>)
      %dma_wait3A = arith.constant 1600 : i32
      %dma_wait3A_1071 = tpu.memref_slice %arg6[%dma_wait3A] : memref<5120xf32, #tpu.memory_space<vmem>> -> memref<320xf32, #tpu.memory_space<vmem>>
      %dma_wait3A_1072 = tpu.memref_slice %arg8[%add3A_42] : memref<81920xf32, #tpu.memory_space<vmem_shared>> -> memref<320xf32, #tpu.memory_space<vmem_shared>>
      %dma_wait3A_1073 = arith.constant 1600 : i32
      %dma_wait3A_1074 = tpu.memref_slice %arg6[%dma_wait3A_1073] : memref<5120xf32, #tpu.memory_space<vmem>> -> memref<320xf32, #tpu.memory_space<vmem>>
      %dma_wait3A_1075 = tpu.memref_slice %arg8[%add3A_42] : memref<81920xf32, #tpu.memory_space<vmem_shared>> -> memref<320xf32, #tpu.memory_space<vmem_shared>>
      tpu.wait_dma2 semaphore(%run_scoped3A : memref<!tpu.dma_semaphore, #tpu.memory_space<semaphore_mem>>) src(%dma_wait3A_1075 : memref<320xf32, #tpu.memory_space<vmem_shared>>) dst(%dma_wait3A_1074 : memref<320xf32, #tpu.memory_space<vmem>>)
      tpu.yield
    }) : () -> ()
    %mul3A_43 = arith.constant 320 : i32
    %mul3A_44 = arith.muli %arg1, %mul3A_43 : i32
    %add3A_45 = arith.constant 30720 : i32
    %add3A_46 = arith.addi %add3A_45, %mul3A_44 : i32
    "tpu.region"() ({
      %run_scoped3A = tpu.sem_alloc : memref<!tpu.dma_semaphore, #tpu.memory_space<semaphore_mem>>
      %dma_start3A = arith.constant 1920 : i32
      %dma_start3A_1066 = tpu.memref_slice %arg6[%dma_start3A] : memref<5120xf32, #tpu.memory_space<vmem>> -> memref<320xf32, #tpu.memory_space<vmem>>
      %dma_start3A_1067 = tpu.memref_slice %arg8[%add3A_46] : memref<81920xf32, #tpu.memory_space<vmem_shared>> -> memref<320xf32, #tpu.memory_space<vmem_shared>>
      %dma_start3A_1068 = arith.constant 1920 : i32
      %dma_start3A_1069 = tpu.memref_slice %arg6[%dma_start3A_1068] : memref<5120xf32, #tpu.memory_space<vmem>> -> memref<320xf32, #tpu.memory_space<vmem>>
      %dma_start3A_1070 = tpu.memref_slice %arg8[%add3A_46] : memref<81920xf32, #tpu.memory_space<vmem_shared>> -> memref<320xf32, #tpu.memory_space<vmem_shared>>
      tpu.enqueue_dma source(%dma_start3A_1070 : memref<320xf32, #tpu.memory_space<vmem_shared>>) target(%dma_start3A_1069 : memref<320xf32, #tpu.memory_space<vmem>>) target_semaphore(%run_scoped3A : memref<!tpu.dma_semaphore, #tpu.memory_space<semaphore_mem>>)
      %dma_wait3A = arith.constant 1920 : i32
      %dma_wait3A_1071 = tpu.memref_slice %arg6[%dma_wait3A] : memref<5120xf32, #tpu.memory_space<vmem>> -> memref<320xf32, #tpu.memory_space<vmem>>
      %dma_wait3A_1072 = tpu.memref_slice %arg8[%add3A_46] : memref<81920xf32, #tpu.memory_space<vmem_shared>> -> memref<320xf32, #tpu.memory_space<vmem_shared>>
      %dma_wait3A_1073 = arith.constant 1920 : i32
      %dma_wait3A_1074 = tpu.memref_slice %arg6[%dma_wait3A_1073] : memref<5120xf32, #tpu.memory_space<vmem>> -> memref<320xf32, #tpu.memory_space<vmem>>
      %dma_wait3A_1075 = tpu.memref_slice %arg8[%add3A_46] : memref<81920xf32, #tpu.memory_space<vmem_shared>> -> memref<320xf32, #tpu.memory_space<vmem_shared>>
      tpu.wait_dma2 semaphore(%run_scoped3A : memref<!tpu.dma_semaphore, #tpu.memory_space<semaphore_mem>>) src(%dma_wait3A_1075 : memref<320xf32, #tpu.memory_space<vmem_shared>>) dst(%dma_wait3A_1074 : memref<320xf32, #tpu.memory_space<vmem>>)
      tpu.yield
    }) : () -> ()
    %mul3A_47 = arith.constant 320 : i32
    %mul3A_48 = arith.muli %arg1, %mul3A_47 : i32
    %add3A_49 = arith.constant 35840 : i32
    %add3A_50 = arith.addi %add3A_49, %mul3A_48 : i32
    "tpu.region"() ({
      %run_scoped3A = tpu.sem_alloc : memref<!tpu.dma_semaphore, #tpu.memory_space<semaphore_mem>>
      %dma_start3A = arith.constant 2240 : i32
      %dma_start3A_1066 = tpu.memref_slice %arg6[%dma_start3A] : memref<5120xf32, #tpu.memory_space<vmem>> -> memref<320xf32, #tpu.memory_space<vmem>>
      %dma_start3A_1067 = tpu.memref_slice %arg8[%add3A_50] : memref<81920xf32, #tpu.memory_space<vmem_shared>> -> memref<320xf32, #tpu.memory_space<vmem_shared>>
      %dma_start3A_1068 = arith.constant 2240 : i32
      %dma_start3A_1069 = tpu.memref_slice %arg6[%dma_start3A_1068] : memref<5120xf32, #tpu.memory_space<vmem>> -> memref<320xf32, #tpu.memory_space<vmem>>
      %dma_start3A_1070 = tpu.memref_slice %arg8[%add3A_50] : memref<81920xf32, #tpu.memory_space<vmem_shared>> -> memref<320xf32, #tpu.memory_space<vmem_shared>>
      tpu.enqueue_dma source(%dma_start3A_1070 : memref<320xf32, #tpu.memory_space<vmem_shared>>) target(%dma_start3A_1069 : memref<320xf32, #tpu.memory_space<vmem>>) target_semaphore(%run_scoped3A : memref<!tpu.dma_semaphore, #tpu.memory_space<semaphore_mem>>)
      %dma_wait3A = arith.constant 2240 : i32
      %dma_wait3A_1071 = tpu.memref_slice %arg6[%dma_wait3A] : memref<5120xf32, #tpu.memory_space<vmem>> -> memref<320xf32, #tpu.memory_space<vmem>>
      %dma_wait3A_1072 = tpu.memref_slice %arg8[%add3A_50] : memref<81920xf32, #tpu.memory_space<vmem_shared>> -> memref<320xf32, #tpu.memory_space<vmem_shared>>
      %dma_wait3A_1073 = arith.constant 2240 : i32
      %dma_wait3A_1074 = tpu.memref_slice %arg6[%dma_wait3A_1073] : memref<5120xf32, #tpu.memory_space<vmem>> -> memref<320xf32, #tpu.memory_space<vmem>>
      %dma_wait3A_1075 = tpu.memref_slice %arg8[%add3A_50] : memref<81920xf32, #tpu.memory_space<vmem_shared>> -> memref<320xf32, #tpu.memory_space<vmem_shared>>
      tpu.wait_dma2 semaphore(%run_scoped3A : memref<!tpu.dma_semaphore, #tpu.memory_space<semaphore_mem>>) src(%dma_wait3A_1075 : memref<320xf32, #tpu.memory_space<vmem_shared>>) dst(%dma_wait3A_1074 : memref<320xf32, #tpu.memory_space<vmem>>)
      tpu.yield
    }) : () -> ()
    %mul3A_51 = arith.constant 320 : i32
    %mul3A_52 = arith.muli %arg1, %mul3A_51 : i32
    %add3A_53 = arith.constant 40960 : i32
    %add3A_54 = arith.addi %add3A_53, %mul3A_52 : i32
    "tpu.region"() ({
      %run_scoped3A = tpu.sem_alloc : memref<!tpu.dma_semaphore, #tpu.memory_space<semaphore_mem>>
      %dma_start3A = arith.constant 2560 : i32
      %dma_start3A_1066 = tpu.memref_slice %arg6[%dma_start3A] : memref<5120xf32, #tpu.memory_space<vmem>> -> memref<320xf32, #tpu.memory_space<vmem>>
      %dma_start3A_1067 = tpu.memref_slice %arg8[%add3A_54] : memref<81920xf32, #tpu.memory_space<vmem_shared>> -> memref<320xf32, #tpu.memory_space<vmem_shared>>
      %dma_start3A_1068 = arith.constant 2560 : i32
      %dma_start3A_1069 = tpu.memref_slice %arg6[%dma_start3A_1068] : memref<5120xf32, #tpu.memory_space<vmem>> -> memref<320xf32, #tpu.memory_space<vmem>>
      %dma_start3A_1070 = tpu.memref_slice %arg8[%add3A_54] : memref<81920xf32, #tpu.memory_space<vmem_shared>> -> memref<320xf32, #tpu.memory_space<vmem_shared>>
      tpu.enqueue_dma source(%dma_start3A_1070 : memref<320xf32, #tpu.memory_space<vmem_shared>>) target(%dma_start3A_1069 : memref<320xf32, #tpu.memory_space<vmem>>) target_semaphore(%run_scoped3A : memref<!tpu.dma_semaphore, #tpu.memory_space<semaphore_mem>>)
      %dma_wait3A = arith.constant 2560 : i32
      %dma_wait3A_1071 = tpu.memref_slice %arg6[%dma_wait3A] : memref<5120xf32, #tpu.memory_space<vmem>> -> memref<320xf32, #tpu.memory_space<vmem>>
      %dma_wait3A_1072 = tpu.memref_slice %arg8[%add3A_54] : memref<81920xf32, #tpu.memory_space<vmem_shared>> -> memref<320xf32, #tpu.memory_space<vmem_shared>>
      %dma_wait3A_1073 = arith.constant 2560 : i32
      %dma_wait3A_1074 = tpu.memref_slice %arg6[%dma_wait3A_1073] : memref<5120xf32, #tpu.memory_space<vmem>> -> memref<320xf32, #tpu.memory_space<vmem>>
      %dma_wait3A_1075 = tpu.memref_slice %arg8[%add3A_54] : memref<81920xf32, #tpu.memory_space<vmem_shared>> -> memref<320xf32, #tpu.memory_space<vmem_shared>>
      tpu.wait_dma2 semaphore(%run_scoped3A : memref<!tpu.dma_semaphore, #tpu.memory_space<semaphore_mem>>) src(%dma_wait3A_1075 : memref<320xf32, #tpu.memory_space<vmem_shared>>) dst(%dma_wait3A_1074 : memref<320xf32, #tpu.memory_space<vmem>>)
      tpu.yield
    }) : () -> ()
    %mul3A_55 = arith.constant 320 : i32
    %mul3A_56 = arith.muli %arg1, %mul3A_55 : i32
    %add3A_57 = arith.constant 46080 : i32
    %add3A_58 = arith.addi %add3A_57, %mul3A_56 : i32
    "tpu.region"() ({
      %run_scoped3A = tpu.sem_alloc : memref<!tpu.dma_semaphore, #tpu.memory_space<semaphore_mem>>
      %dma_start3A = arith.constant 2880 : i32
      %dma_start3A_1066 = tpu.memref_slice %arg6[%dma_start3A] : memref<5120xf32, #tpu.memory_space<vmem>> -> memref<320xf32, #tpu.memory_space<vmem>>
      %dma_start3A_1067 = tpu.memref_slice %arg8[%add3A_58] : memref<81920xf32, #tpu.memory_space<vmem_shared>> -> memref<320xf32, #tpu.memory_space<vmem_shared>>
      %dma_start3A_1068 = arith.constant 2880 : i32
      %dma_start3A_1069 = tpu.memref_slice %arg6[%dma_start3A_1068] : memref<5120xf32, #tpu.memory_space<vmem>> -> memref<320xf32, #tpu.memory_space<vmem>>
      %dma_start3A_1070 = tpu.memref_slice %arg8[%add3A_58] : memref<81920xf32, #tpu.memory_space<vmem_shared>> -> memref<320xf32, #tpu.memory_space<vmem_shared>>
      tpu.enqueue_dma source(%dma_start3A_1070 : memref<320xf32, #tpu.memory_space<vmem_shared>>) target(%dma_start3A_1069 : memref<320xf32, #tpu.memory_space<vmem>>) target_semaphore(%run_scoped3A : memref<!tpu.dma_semaphore, #tpu.memory_space<semaphore_mem>>)
      %dma_wait3A = arith.constant 2880 : i32
      %dma_wait3A_1071 = tpu.memref_slice %arg6[%dma_wait3A] : memref<5120xf32, #tpu.memory_space<vmem>> -> memref<320xf32, #tpu.memory_space<vmem>>
      %dma_wait3A_1072 = tpu.memref_slice %arg8[%add3A_58] : memref<81920xf32, #tpu.memory_space<vmem_shared>> -> memref<320xf32, #tpu.memory_space<vmem_shared>>
      %dma_wait3A_1073 = arith.constant 2880 : i32
      %dma_wait3A_1074 = tpu.memref_slice %arg6[%dma_wait3A_1073] : memref<5120xf32, #tpu.memory_space<vmem>> -> memref<320xf32, #tpu.memory_space<vmem>>
      %dma_wait3A_1075 = tpu.memref_slice %arg8[%add3A_58] : memref<81920xf32, #tpu.memory_space<vmem_shared>> -> memref<320xf32, #tpu.memory_space<vmem_shared>>
      tpu.wait_dma2 semaphore(%run_scoped3A : memref<!tpu.dma_semaphore, #tpu.memory_space<semaphore_mem>>) src(%dma_wait3A_1075 : memref<320xf32, #tpu.memory_space<vmem_shared>>) dst(%dma_wait3A_1074 : memref<320xf32, #tpu.memory_space<vmem>>)
      tpu.yield
    }) : () -> ()
    %mul3A_59 = arith.constant 320 : i32
    %mul3A_60 = arith.muli %arg1, %mul3A_59 : i32
    %add3A_61 = arith.constant 51200 : i32
    %add3A_62 = arith.addi %add3A_61, %mul3A_60 : i32
    "tpu.region"() ({
      %run_scoped3A = tpu.sem_alloc : memref<!tpu.dma_semaphore, #tpu.memory_space<semaphore_mem>>
      %dma_start3A = arith.constant 3200 : i32
      %dma_start3A_1066 = tpu.memref_slice %arg6[%dma_start3A] : memref<5120xf32, #tpu.memory_space<vmem>> -> memref<320xf32, #tpu.memory_space<vmem>>
      %dma_start3A_1067 = tpu.memref_slice %arg8[%add3A_62] : memref<81920xf32, #tpu.memory_space<vmem_shared>> -> memref<320xf32, #tpu.memory_space<vmem_shared>>
      %dma_start3A_1068 = arith.constant 3200 : i32
      %dma_start3A_1069 = tpu.memref_slice %arg6[%dma_start3A_1068] : memref<5120xf32, #tpu.memory_space<vmem>> -> memref<320xf32, #tpu.memory_space<vmem>>
      %dma_start3A_1070 = tpu.memref_slice %arg8[%add3A_62] : memref<81920xf32, #tpu.memory_space<vmem_shared>> -> memref<320xf32, #tpu.memory_space<vmem_shared>>
      tpu.enqueue_dma source(%dma_start3A_1070 : memref<320xf32, #tpu.memory_space<vmem_shared>>) target(%dma_start3A_1069 : memref<320xf32, #tpu.memory_space<vmem>>) target_semaphore(%run_scoped3A : memref<!tpu.dma_semaphore, #tpu.memory_space<semaphore_mem>>)
      %dma_wait3A = arith.constant 3200 : i32
      %dma_wait3A_1071 = tpu.memref_slice %arg6[%dma_wait3A] : memref<5120xf32, #tpu.memory_space<vmem>> -> memref<320xf32, #tpu.memory_space<vmem>>
      %dma_wait3A_1072 = tpu.memref_slice %arg8[%add3A_62] : memref<81920xf32, #tpu.memory_space<vmem_shared>> -> memref<320xf32, #tpu.memory_space<vmem_shared>>
      %dma_wait3A_1073 = arith.constant 3200 : i32
      %dma_wait3A_1074 = tpu.memref_slice %arg6[%dma_wait3A_1073] : memref<5120xf32, #tpu.memory_space<vmem>> -> memref<320xf32, #tpu.memory_space<vmem>>
      %dma_wait3A_1075 = tpu.memref_slice %arg8[%add3A_62] : memref<81920xf32, #tpu.memory_space<vmem_shared>> -> memref<320xf32, #tpu.memory_space<vmem_shared>>
      tpu.wait_dma2 semaphore(%run_scoped3A : memref<!tpu.dma_semaphore, #tpu.memory_space<semaphore_mem>>) src(%dma_wait3A_1075 : memref<320xf32, #tpu.memory_space<vmem_shared>>) dst(%dma_wait3A_1074 : memref<320xf32, #tpu.memory_space<vmem>>)
      tpu.yield
    }) : () -> ()
    %mul3A_63 = arith.constant 320 : i32
    %mul3A_64 = arith.muli %arg1, %mul3A_63 : i32
    %add3A_65 = arith.constant 56320 : i32
    %add3A_66 = arith.addi %add3A_65, %mul3A_64 : i32
    "tpu.region"() ({
      %run_scoped3A = tpu.sem_alloc : memref<!tpu.dma_semaphore, #tpu.memory_space<semaphore_mem>>
      %dma_start3A = arith.constant 3520 : i32
      %dma_start3A_1066 = tpu.memref_slice %arg6[%dma_start3A] : memref<5120xf32, #tpu.memory_space<vmem>> -> memref<320xf32, #tpu.memory_space<vmem>>
      %dma_start3A_1067 = tpu.memref_slice %arg8[%add3A_66] : memref<81920xf32, #tpu.memory_space<vmem_shared>> -> memref<320xf32, #tpu.memory_space<vmem_shared>>
      %dma_start3A_1068 = arith.constant 3520 : i32
      %dma_start3A_1069 = tpu.memref_slice %arg6[%dma_start3A_1068] : memref<5120xf32, #tpu.memory_space<vmem>> -> memref<320xf32, #tpu.memory_space<vmem>>
      %dma_start3A_1070 = tpu.memref_slice %arg8[%add3A_66] : memref<81920xf32, #tpu.memory_space<vmem_shared>> -> memref<320xf32, #tpu.memory_space<vmem_shared>>
      tpu.enqueue_dma source(%dma_start3A_1070 : memref<320xf32, #tpu.memory_space<vmem_shared>>) target(%dma_start3A_1069 : memref<320xf32, #tpu.memory_space<vmem>>) target_semaphore(%run_scoped3A : memref<!tpu.dma_semaphore, #tpu.memory_space<semaphore_mem>>)
      %dma_wait3A = arith.constant 3520 : i32
      %dma_wait3A_1071 = tpu.memref_slice %arg6[%dma_wait3A] : memref<5120xf32, #tpu.memory_space<vmem>> -> memref<320xf32, #tpu.memory_space<vmem>>
      %dma_wait3A_1072 = tpu.memref_slice %arg8[%add3A_66] : memref<81920xf32, #tpu.memory_space<vmem_shared>> -> memref<320xf32, #tpu.memory_space<vmem_shared>>
      %dma_wait3A_1073 = arith.constant 3520 : i32
      %dma_wait3A_1074 = tpu.memref_slice %arg6[%dma_wait3A_1073] : memref<5120xf32, #tpu.memory_space<vmem>> -> memref<320xf32, #tpu.memory_space<vmem>>
      %dma_wait3A_1075 = tpu.memref_slice %arg8[%add3A_66] : memref<81920xf32, #tpu.memory_space<vmem_shared>> -> memref<320xf32, #tpu.memory_space<vmem_shared>>
      tpu.wait_dma2 semaphore(%run_scoped3A : memref<!tpu.dma_semaphore, #tpu.memory_space<semaphore_mem>>) src(%dma_wait3A_1075 : memref<320xf32, #tpu.memory_space<vmem_shared>>) dst(%dma_wait3A_1074 : memref<320xf32, #tpu.memory_space<vmem>>)
      tpu.yield
    }) : () -> ()
    %mul3A_67 = arith.constant 320 : i32
    %mul3A_68 = arith.muli %arg1, %mul3A_67 : i32
    %add3A_69 = arith.constant 61440 : i32
    %add3A_70 = arith.addi %add3A_69, %mul3A_68 : i32
    "tpu.region"() ({
      %run_scoped3A = tpu.sem_alloc : memref<!tpu.dma_semaphore, #tpu.memory_space<semaphore_mem>>
      %dma_start3A = arith.constant 3840 : i32
      %dma_start3A_1066 = tpu.memref_slice %arg6[%dma_start3A] : memref<5120xf32, #tpu.memory_space<vmem>> -> memref<320xf32, #tpu.memory_space<vmem>>
      %dma_start3A_1067 = tpu.memref_slice %arg8[%add3A_70] : memref<81920xf32, #tpu.memory_space<vmem_shared>> -> memref<320xf32, #tpu.memory_space<vmem_shared>>
      %dma_start3A_1068 = arith.constant 3840 : i32
      %dma_start3A_1069 = tpu.memref_slice %arg6[%dma_start3A_1068] : memref<5120xf32, #tpu.memory_space<vmem>> -> memref<320xf32, #tpu.memory_space<vmem>>
      %dma_start3A_1070 = tpu.memref_slice %arg8[%add3A_70] : memref<81920xf32, #tpu.memory_space<vmem_shared>> -> memref<320xf32, #tpu.memory_space<vmem_shared>>
      tpu.enqueue_dma source(%dma_start3A_1070 : memref<320xf32, #tpu.memory_space<vmem_shared>>) target(%dma_start3A_1069 : memref<320xf32, #tpu.memory_space<vmem>>) target_semaphore(%run_scoped3A : memref<!tpu.dma_semaphore, #tpu.memory_space<semaphore_mem>>)
      %dma_wait3A = arith.constant 3840 : i32
      %dma_wait3A_1071 = tpu.memref_slice %arg6[%dma_wait3A] : memref<5120xf32, #tpu.memory_space<vmem>> -> memref<320xf32, #tpu.memory_space<vmem>>
      %dma_wait3A_1072 = tpu.memref_slice %arg8[%add3A_70] : memref<81920xf32, #tpu.memory_space<vmem_shared>> -> memref<320xf32, #tpu.memory_space<vmem_shared>>
      %dma_wait3A_1073 = arith.constant 3840 : i32
      %dma_wait3A_1074 = tpu.memref_slice %arg6[%dma_wait3A_1073] : memref<5120xf32, #tpu.memory_space<vmem>> -> memref<320xf32, #tpu.memory_space<vmem>>
      %dma_wait3A_1075 = tpu.memref_slice %arg8[%add3A_70] : memref<81920xf32, #tpu.memory_space<vmem_shared>> -> memref<320xf32, #tpu.memory_space<vmem_shared>>
      tpu.wait_dma2 semaphore(%run_scoped3A : memref<!tpu.dma_semaphore, #tpu.memory_space<semaphore_mem>>) src(%dma_wait3A_1075 : memref<320xf32, #tpu.memory_space<vmem_shared>>) dst(%dma_wait3A_1074 : memref<320xf32, #tpu.memory_space<vmem>>)
      tpu.yield
    }) : () -> ()
    %mul3A_71 = arith.constant 320 : i32
    %mul3A_72 = arith.muli %arg1, %mul3A_71 : i32
    %add3A_73 = arith.constant 66560 : i32
    %add3A_74 = arith.addi %add3A_73, %mul3A_72 : i32
    "tpu.region"() ({
      %run_scoped3A = tpu.sem_alloc : memref<!tpu.dma_semaphore, #tpu.memory_space<semaphore_mem>>
      %dma_start3A = arith.constant 4160 : i32
      %dma_start3A_1066 = tpu.memref_slice %arg6[%dma_start3A] : memref<5120xf32, #tpu.memory_space<vmem>> -> memref<320xf32, #tpu.memory_space<vmem>>
      %dma_start3A_1067 = tpu.memref_slice %arg8[%add3A_74] : memref<81920xf32, #tpu.memory_space<vmem_shared>> -> memref<320xf32, #tpu.memory_space<vmem_shared>>
      %dma_start3A_1068 = arith.constant 4160 : i32
      %dma_start3A_1069 = tpu.memref_slice %arg6[%dma_start3A_1068] : memref<5120xf32, #tpu.memory_space<vmem>> -> memref<320xf32, #tpu.memory_space<vmem>>
      %dma_start3A_1070 = tpu.memref_slice %arg8[%add3A_74] : memref<81920xf32, #tpu.memory_space<vmem_shared>> -> memref<320xf32, #tpu.memory_space<vmem_shared>>
      tpu.enqueue_dma source(%dma_start3A_1070 : memref<320xf32, #tpu.memory_space<vmem_shared>>) target(%dma_start3A_1069 : memref<320xf32, #tpu.memory_space<vmem>>) target_semaphore(%run_scoped3A : memref<!tpu.dma_semaphore, #tpu.memory_space<semaphore_mem>>)
      %dma_wait3A = arith.constant 4160 : i32
      %dma_wait3A_1071 = tpu.memref_slice %arg6[%dma_wait3A] : memref<5120xf32, #tpu.memory_space<vmem>> -> memref<320xf32, #tpu.memory_space<vmem>>
      %dma_wait3A_1072 = tpu.memref_slice %arg8[%add3A_74] : memref<81920xf32, #tpu.memory_space<vmem_shared>> -> memref<320xf32, #tpu.memory_space<vmem_shared>>
      %dma_wait3A_1073 = arith.constant 4160 : i32
      %dma_wait3A_1074 = tpu.memref_slice %arg6[%dma_wait3A_1073] : memref<5120xf32, #tpu.memory_space<vmem>> -> memref<320xf32, #tpu.memory_space<vmem>>
      %dma_wait3A_1075 = tpu.memref_slice %arg8[%add3A_74] : memref<81920xf32, #tpu.memory_space<vmem_shared>> -> memref<320xf32, #tpu.memory_space<vmem_shared>>
      tpu.wait_dma2 semaphore(%run_scoped3A : memref<!tpu.dma_semaphore, #tpu.memory_space<semaphore_mem>>) src(%dma_wait3A_1075 : memref<320xf32, #tpu.memory_space<vmem_shared>>) dst(%dma_wait3A_1074 : memref<320xf32, #tpu.memory_space<vmem>>)
      tpu.yield
    }) : () -> ()
    %mul3A_75 = arith.constant 320 : i32
    %mul3A_76 = arith.muli %arg1, %mul3A_75 : i32
    %add3A_77 = arith.constant 71680 : i32
    %add3A_78 = arith.addi %add3A_77, %mul3A_76 : i32
    "tpu.region"() ({
      %run_scoped3A = tpu.sem_alloc : memref<!tpu.dma_semaphore, #tpu.memory_space<semaphore_mem>>
      %dma_start3A = arith.constant 4480 : i32
      %dma_start3A_1066 = tpu.memref_slice %arg6[%dma_start3A] : memref<5120xf32, #tpu.memory_space<vmem>> -> memref<320xf32, #tpu.memory_space<vmem>>
      %dma_start3A_1067 = tpu.memref_slice %arg8[%add3A_78] : memref<81920xf32, #tpu.memory_space<vmem_shared>> -> memref<320xf32, #tpu.memory_space<vmem_shared>>
      %dma_start3A_1068 = arith.constant 4480 : i32
      %dma_start3A_1069 = tpu.memref_slice %arg6[%dma_start3A_1068] : memref<5120xf32, #tpu.memory_space<vmem>> -> memref<320xf32, #tpu.memory_space<vmem>>
      %dma_start3A_1070 = tpu.memref_slice %arg8[%add3A_78] : memref<81920xf32, #tpu.memory_space<vmem_shared>> -> memref<320xf32, #tpu.memory_space<vmem_shared>>
      tpu.enqueue_dma source(%dma_start3A_1070 : memref<320xf32, #tpu.memory_space<vmem_shared>>) target(%dma_start3A_1069 : memref<320xf32, #tpu.memory_space<vmem>>) target_semaphore(%run_scoped3A : memref<!tpu.dma_semaphore, #tpu.memory_space<semaphore_mem>>)
      %dma_wait3A = arith.constant 4480 : i32
      %dma_wait3A_1071 = tpu.memref_slice %arg6[%dma_wait3A] : memref<5120xf32, #tpu.memory_space<vmem>> -> memref<320xf32, #tpu.memory_space<vmem>>
      %dma_wait3A_1072 = tpu.memref_slice %arg8[%add3A_78] : memref<81920xf32, #tpu.memory_space<vmem_shared>> -> memref<320xf32, #tpu.memory_space<vmem_shared>>
      %dma_wait3A_1073 = arith.constant 4480 : i32
      %dma_wait3A_1074 = tpu.memref_slice %arg6[%dma_wait3A_1073] : memref<5120xf32, #tpu.memory_space<vmem>> -> memref<320xf32, #tpu.memory_space<vmem>>
      %dma_wait3A_1075 = tpu.memref_slice %arg8[%add3A_78] : memref<81920xf32, #tpu.memory_space<vmem_shared>> -> memref<320xf32, #tpu.memory_space<vmem_shared>>
      tpu.wait_dma2 semaphore(%run_scoped3A : memref<!tpu.dma_semaphore, #tpu.memory_space<semaphore_mem>>) src(%dma_wait3A_1075 : memref<320xf32, #tpu.memory_space<vmem_shared>>) dst(%dma_wait3A_1074 : memref<320xf32, #tpu.memory_space<vmem>>)
      tpu.yield
    }) : () -> ()
    %mul3A_79 = arith.constant 320 : i32
    %mul3A_80 = arith.muli %arg1, %mul3A_79 : i32
    %add3A_81 = arith.constant 76800 : i32
    %add3A_82 = arith.addi %add3A_81, %mul3A_80 : i32
    "tpu.region"() ({
      %run_scoped3A = tpu.sem_alloc : memref<!tpu.dma_semaphore, #tpu.memory_space<semaphore_mem>>
      %dma_start3A = arith.constant 4800 : i32
      %dma_start3A_1066 = tpu.memref_slice %arg6[%dma_start3A] : memref<5120xf32, #tpu.memory_space<vmem>> -> memref<320xf32, #tpu.memory_space<vmem>>
      %dma_start3A_1067 = tpu.memref_slice %arg8[%add3A_82] : memref<81920xf32, #tpu.memory_space<vmem_shared>> -> memref<320xf32, #tpu.memory_space<vmem_shared>>
      %dma_start3A_1068 = arith.constant 4800 : i32
      %dma_start3A_1069 = tpu.memref_slice %arg6[%dma_start3A_1068] : memref<5120xf32, #tpu.memory_space<vmem>> -> memref<320xf32, #tpu.memory_space<vmem>>
      %dma_start3A_1070 = tpu.memref_slice %arg8[%add3A_82] : memref<81920xf32, #tpu.memory_space<vmem_shared>> -> memref<320xf32, #tpu.memory_space<vmem_shared>>
      tpu.enqueue_dma source(%dma_start3A_1070 : memref<320xf32, #tpu.memory_space<vmem_shared>>) target(%dma_start3A_1069 : memref<320xf32, #tpu.memory_space<vmem>>) target_semaphore(%run_scoped3A : memref<!tpu.dma_semaphore, #tpu.memory_space<semaphore_mem>>)
      %dma_wait3A = arith.constant 4800 : i32
      %dma_wait3A_1071 = tpu.memref_slice %arg6[%dma_wait3A] : memref<5120xf32, #tpu.memory_space<vmem>> -> memref<320xf32, #tpu.memory_space<vmem>>
      %dma_wait3A_1072 = tpu.memref_slice %arg8[%add3A_82] : memref<81920xf32, #tpu.memory_space<vmem_shared>> -> memref<320xf32, #tpu.memory_space<vmem_shared>>
      %dma_wait3A_1073 = arith.constant 4800 : i32
      %dma_wait3A_1074 = tpu.memref_slice %arg6[%dma_wait3A_1073] : memref<5120xf32, #tpu.memory_space<vmem>> -> memref<320xf32, #tpu.memory_space<vmem>>
      %dma_wait3A_1075 = tpu.memref_slice %arg8[%add3A_82] : memref<81920xf32, #tpu.memory_space<vmem_shared>> -> memref<320xf32, #tpu.memory_space<vmem_shared>>
      tpu.wait_dma2 semaphore(%run_scoped3A : memref<!tpu.dma_semaphore, #tpu.memory_space<semaphore_mem>>) src(%dma_wait3A_1075 : memref<320xf32, #tpu.memory_space<vmem_shared>>) dst(%dma_wait3A_1074 : memref<320xf32, #tpu.memory_space<vmem>>)
      tpu.yield
    }) : () -> ()
    %get3A = arith.constant 0 : index
    %get3A_83 = tpu.vector_load %arg6[%get3A] {strides = array<i32>} : memref<5120xf32, #tpu.memory_space<vmem>>, vector<16xf32>,
    %get3A_84 = arith.constant 320 : index
    %get3A_85 = tpu.vector_load %arg6[%get3A_84] {strides = array<i32>} : memref<5120xf32, #tpu.memory_space<vmem>>, vector<16xf32>,
    %add3A_86 = arith.addf %get3A_83, %get3A_85 : vector<16xf32>
    %get3A_87 = arith.constant 640 : index
    %get3A_88 = tpu.vector_load %arg6[%get3A_87] {strides = array<i32>} : memref<5120xf32, #tpu.memory_space<vmem>>, vector<16xf32>,
    %add3A_89 = arith.addf %add3A_86, %get3A_88 : vector<16xf32>
    %get3A_90 = arith.constant 960 : index
    %get3A_91 = tpu.vector_load %arg6[%get3A_90] {strides = array<i32>} : memref<5120xf32, #tpu.memory_space<vmem>>, vector<16xf32>,
    %add3A_92 = arith.addf %add3A_89, %get3A_91 : vector<16xf32>
    %get3A_93 = arith.constant 1280 : index
    %get3A_94 = tpu.vector_load %arg6[%get3A_93] {strides = array<i32>} : memref<5120xf32, #tpu.memory_space<vmem>>, vector<16xf32>,
    %add3A_95 = arith.addf %add3A_92, %get3A_94 : vector<16xf32>
    %get3A_96 = arith.constant 1600 : index
    %get3A_97 = tpu.vector_load %arg6[%get3A_96] {strides = array<i32>} : memref<5120xf32, #tpu.memory_space<vmem>>, vector<16xf32>,
    %add3A_98 = arith.addf %add3A_95, %get3A_97 : vector<16xf32>
    %get3A_99 = arith.constant 1920 : index
    %get3A_100 = tpu.vector_load %arg6[%get3A_99] {strides = array<i32>} : memref<5120xf32, #tpu.memory_space<vmem>>, vector<16xf32>,
    %add3A_101 = arith.addf %add3A_98, %get3A_100 : vector<16xf32>
    %get3A_102 = arith.constant 2240 : index
    %get3A_103 = tpu.vector_load %arg6[%get3A_102] {strides = array<i32>} : memref<5120xf32, #tpu.memory_space<vmem>>, vector<16xf32>,
    %add3A_104 = arith.addf %add3A_101, %get3A_103 : vector<16xf32>
    %get3A_105 = arith.constant 2560 : index
    %get3A_106 = tpu.vector_load %arg6[%get3A_105] {strides = array<i32>} : memref<5120xf32, #tpu.memory_space<vmem>>, vector<16xf32>,
    %add3A_107 = arith.addf %add3A_104, %get3A_106 : vector<16xf32>
    %get3A_108 = arith.constant 2880 : index
    %get3A_109 = tpu.vector_load %arg6[%get3A_108] {strides = array<i32>} : memref<5120xf32, #tpu.memory_space<vmem>>, vector<16xf32>,
    %add3A_110 = arith.addf %add3A_107, %get3A_109 : vector<16xf32>
    %get3A_111 = arith.constant 3200 : index
    %get3A_112 = tpu.vector_load %arg6[%get3A_111] {strides = array<i32>} : memref<5120xf32, #tpu.memory_space<vmem>>, vector<16xf32>,
    %add3A_113 = arith.addf %add3A_110, %get3A_112 : vector<16xf32>
    %get3A_114 = arith.constant 3520 : index
    %get3A_115 = tpu.vector_load %arg6[%get3A_114] {strides = array<i32>} : memref<5120xf32, #tpu.memory_space<vmem>>, vector<16xf32>,
    %add3A_116 = arith.addf %add3A_113, %get3A_115 : vector<16xf32>
    %get3A_117 = arith.constant 3840 : index
    %get3A_118 = tpu.vector_load %arg6[%get3A_117] {strides = array<i32>} : memref<5120xf32, #tpu.memory_space<vmem>>, vector<16xf32>,
    %add3A_119 = arith.addf %add3A_116, %get3A_118 : vector<16xf32>
    %get3A_120 = arith.constant 4160 : index
    %get3A_121 = tpu.vector_load %arg6[%get3A_120] {strides = array<i32>} : memref<5120xf32, #tpu.memory_space<vmem>>, vector<16xf32>,
    %add3A_122 = arith.addf %add3A_119, %get3A_121 : vector<16xf32>
    %get3A_123 = arith.constant 4480 : index
    %get3A_124 = tpu.vector_load %arg6[%get3A_123] {strides = array<i32>} : memref<5120xf32, #tpu.memory_space<vmem>>, vector<16xf32>,
    %add3A_125 = arith.addf %add3A_122, %get3A_124 : vector<16xf32>
    %get3A_126 = arith.constant 4800 : index
    %get3A_127 = tpu.vector_load %arg6[%get3A_126] {strides = array<i32>} : memref<5120xf32, #tpu.memory_space<vmem>>, vector<16xf32>,
    %add3A_128 = arith.addf %add3A_125, %get3A_127 : vector<16xf32>
    %swap3A = arith.constant 0 : index
    %swap3A_129 = tpu.vector_load %arg7[%swap3A] {strides = array<i32>} : memref<320xf32, #tpu.memory_space<vmem>>, vector<16xf32>,
    tpu.vector_store %arg7[%swap3A], %add3A_128 {strides = array<i32>} : memref<320xf32, #tpu.memory_space<vmem>>, vector<16xf32>,
    %get3A_130 = arith.constant 16 : index
    %get3A_131 = tpu.vector_load %arg6[%get3A_130] {strides = array<i32>} : memref<5120xf32, #tpu.memory_space<vmem>>, vector<16xf32>,
    %get3A_132 = arith.constant 336 : index
    %get3A_133 = tpu.vector_load %arg6[%get3A_132] {strides = array<i32>} : memref<5120xf32, #tpu.memory_space<vmem>>, vector<16xf32>,
    %add3A_134 = arith.addf %get3A_131, %get3A_133 : vector<16xf32>
    %get3A_135 = arith.constant 656 : index
    %get3A_136 = tpu.vector_load %arg6[%get3A_135] {strides = array<i32>} : memref<5120xf32, #tpu.memory_space<vmem>>, vector<16xf32>,
    %add3A_137 = arith.addf %add3A_134, %get3A_136 : vector<16xf32>
    %get3A_138 = arith.constant 976 : index
    %get3A_139 = tpu.vector_load %arg6[%get3A_138] {strides = array<i32>} : memref<5120xf32, #tpu.memory_space<vmem>>, vector<16xf32>,
    %add3A_140 = arith.addf %add3A_137, %get3A_139 : vector<16xf32>
    %get3A_141 = arith.constant 1296 : index
    %get3A_142 = tpu.vector_load %arg6[%get3A_141] {strides = array<i32>} : memref<5120xf32, #tpu.memory_space<vmem>>, vector<16xf32>,
    %add3A_143 = arith.addf %add3A_140, %get3A_142 : vector<16xf32>
    %get3A_144 = arith.constant 1616 : index
    %get3A_145 = tpu.vector_load %arg6[%get3A_144] {strides = array<i32>} : memref<5120xf32, #tpu.memory_space<vmem>>, vector<16xf32>,
    %add3A_146 = arith.addf %add3A_143, %get3A_145 : vector<16xf32>
    %get3A_147 = arith.constant 1936 : index
    %get3A_148 = tpu.vector_load %arg6[%get3A_147] {strides = array<i32>} : memref<5120xf32, #tpu.memory_space<vmem>>, vector<16xf32>,
    %add3A_149 = arith.addf %add3A_146, %get3A_148 : vector<16xf32>
    %get3A_150 = arith.constant 2256 : index
    %get3A_151 = tpu.vector_load %arg6[%get3A_150] {strides = array<i32>} : memref<5120xf32, #tpu.memory_space<vmem>>, vector<16xf32>,
    %add3A_152 = arith.addf %add3A_149, %get3A_151 : vector<16xf32>
    %get3A_153 = arith.constant 2576 : index
    %get3A_154 = tpu.vector_load %arg6[%get3A_153] {strides = array<i32>} : memref<5120xf32, #tpu.memory_space<vmem>>, vector<16xf32>,
    %add3A_155 = arith.addf %add3A_152, %get3A_154 : vector<16xf32>
    %get3A_156 = arith.constant 2896 : index
    %get3A_157 = tpu.vector_load %arg6[%get3A_156] {strides = array<i32>} : memref<5120xf32, #tpu.memory_space<vmem>>, vector<16xf32>,
    %add3A_158 = arith.addf %add3A_155, %get3A_157 : vector<16xf32>
    %get3A_159 = arith.constant 3216 : index
    %get3A_160 = tpu.vector_load %arg6[%get3A_159] {strides = array<i32>} : memref<5120xf32, #tpu.memory_space<vmem>>, vector<16xf32>,
    %add3A_161 = arith.addf %add3A_158, %get3A_160 : vector<16xf32>
    %get3A_162 = arith.constant 3536 : index
    %get3A_163 = tpu.vector_load %arg6[%get3A_162] {strides = array<i32>} : memref<5120xf32, #tpu.memory_space<vmem>>, vector<16xf32>,
    %add3A_164 = arith.addf %add3A_161, %get3A_163 : vector<16xf32>
    %get3A_165 = arith.constant 3856 : index
    %get3A_166 = tpu.vector_load %arg6[%get3A_165] {strides = array<i32>} : memref<5120xf32, #tpu.memory_space<vmem>>, vector<16xf32>,
    %add3A_167 = arith.addf %add3A_164, %get3A_166 : vector<16xf32>
    %get3A_168 = arith.constant 4176 : index
    %get3A_169 = tpu.vector_load %arg6[%get3A_168] {strides = array<i32>} : memref<5120xf32, #tpu.memory_space<vmem>>, vector<16xf32>,
    %add3A_170 = arith.addf %add3A_167, %get3A_169 : vector<16xf32>
    %get3A_171 = arith.constant 4496 : index
    %get3A_172 = tpu.vector_load %arg6[%get3A_171] {strides = array<i32>} : memref<5120xf32, #tpu.memory_space<vmem>>, vector<16xf32>,
    %add3A_173 = arith.addf %add3A_170, %get3A_172 : vector<16xf32>
    %get3A_174 = arith.constant 4816 : index
    %get3A_175 = tpu.vector_load %arg6[%get3A_174] {strides = array<i32>} : memref<5120xf32, #tpu.memory_space<vmem>>, vector<16xf32>,
    %add3A_176 = arith.addf %add3A_173, %get3A_175 : vector<16xf32>
    %swap3A_177 = arith.constant 16 : index
    %swap3A_178 = tpu.vector_load %arg7[%swap3A_177] {strides = array<i32>} : memref<320xf32, #tpu.memory_space<vmem>>, vector<16xf32>,
    tpu.vector_store %arg7[%swap3A_177], %add3A_176 {strides = array<i32>} : memref<320xf32, #tpu.memory_space<vmem>>, vector<16xf32>,
    %get3A_179 = arith.constant 32 : index
    %get3A_180 = tpu.vector_load %arg6[%get3A_179] {strides = array<i32>} : memref<5120xf32, #tpu.memory_space<vmem>>, vector<16xf32>,
    %get3A_181 = arith.constant 352 : index
    %get3A_182 = tpu.vector_load %arg6[%get3A_181] {strides = array<i32>} : memref<5120xf32, #tpu.memory_space<vmem>>, vector<16xf32>,
    %add3A_183 = arith.addf %get3A_180, %get3A_182 : vector<16xf32>
    %get3A_184 = arith.constant 672 : index
    %get3A_185 = tpu.vector_load %arg6[%get3A_184] {strides = array<i32>} : memref<5120xf32, #tpu.memory_space<vmem>>, vector<16xf32>,
    %add3A_186 = arith.addf %add3A_183, %get3A_185 : vector<16xf32>
    %get3A_187 = arith.constant 992 : index
    %get3A_188 = tpu.vector_load %arg6[%get3A_187] {strides = array<i32>} : memref<5120xf32, #tpu.memory_space<vmem>>, vector<16xf32>,
    %add3A_189 = arith.addf %add3A_186, %get3A_188 : vector<16xf32>
    %get3A_190 = arith.constant 1312 : index
    %get3A_191 = tpu.vector_load %arg6[%get3A_190] {strides = array<i32>} : memref<5120xf32, #tpu.memory_space<vmem>>, vector<16xf32>,
    %add3A_192 = arith.addf %add3A_189, %get3A_191 : vector<16xf32>
    %get3A_193 = arith.constant 1632 : index
    %get3A_194 = tpu.vector_load %arg6[%get3A_193] {strides = array<i32>} : memref<5120xf32, #tpu.memory_space<vmem>>, vector<16xf32>,
    %add3A_195 = arith.addf %add3A_192, %get3A_194 : vector<16xf32>
    %get3A_196 = arith.constant 1952 : index
    %get3A_197 = tpu.vector_load %arg6[%get3A_196] {strides = array<i32>} : memref<5120xf32, #tpu.memory_space<vmem>>, vector<16xf32>,
    %add3A_198 = arith.addf %add3A_195, %get3A_197 : vector<16xf32>
    %get3A_199 = arith.constant 2272 : index
    %get3A_200 = tpu.vector_load %arg6[%get3A_199] {strides = array<i32>} : memref<5120xf32, #tpu.memory_space<vmem>>, vector<16xf32>,
    %add3A_201 = arith.addf %add3A_198, %get3A_200 : vector<16xf32>
    %get3A_202 = arith.constant 2592 : index
    %get3A_203 = tpu.vector_load %arg6[%get3A_202] {strides = array<i32>} : memref<5120xf32, #tpu.memory_space<vmem>>, vector<16xf32>,
    %add3A_204 = arith.addf %add3A_201, %get3A_203 : vector<16xf32>
    %get3A_205 = arith.constant 2912 : index
    %get3A_206 = tpu.vector_load %arg6[%get3A_205] {strides = array<i32>} : memref<5120xf32, #tpu.memory_space<vmem>>, vector<16xf32>,
    %add3A_207 = arith.addf %add3A_204, %get3A_206 : vector<16xf32>
    %get3A_208 = arith.constant 3232 : index
    %get3A_209 = tpu.vector_load %arg6[%get3A_208] {strides = array<i32>} : memref<5120xf32, #tpu.memory_space<vmem>>, vector<16xf32>,
    %add3A_210 = arith.addf %add3A_207, %get3A_209 : vector<16xf32>
    %get3A_211 = arith.constant 3552 : index
    %get3A_212 = tpu.vector_load %arg6[%get3A_211] {strides = array<i32>} : memref<5120xf32, #tpu.memory_space<vmem>>, vector<16xf32>,
    %add3A_213 = arith.addf %add3A_210, %get3A_212 : vector<16xf32>
    %get3A_214 = arith.constant 3872 : index
    %get3A_215 = tpu.vector_load %arg6[%get3A_214] {strides = array<i32>} : memref<5120xf32, #tpu.memory_space<vmem>>, vector<16xf32>,
    %add3A_216 = arith.addf %add3A_213, %get3A_215 : vector<16xf32>
    %get3A_217 = arith.constant 4192 : index
    %get3A_218 = tpu.vector_load %arg6[%get3A_217] {strides = array<i32>} : memref<5120xf32, #tpu.memory_space<vmem>>, vector<16xf32>,
    %add3A_219 = arith.addf %add3A_216, %get3A_218 : vector<16xf32>
    %get3A_220 = arith.constant 4512 : index
    %get3A_221 = tpu.vector_load %arg6[%get3A_220] {strides = array<i32>} : memref<5120xf32, #tpu.memory_space<vmem>>, vector<16xf32>,
    %add3A_222 = arith.addf %add3A_219, %get3A_221 : vector<16xf32>
    %get3A_223 = arith.constant 4832 : index
    %get3A_224 = tpu.vector_load %arg6[%get3A_223] {strides = array<i32>} : memref<5120xf32, #tpu.memory_space<vmem>>, vector<16xf32>,
    %add3A_225 = arith.addf %add3A_222, %get3A_224 : vector<16xf32>
    %swap3A_226 = arith.constant 32 : index
    %swap3A_227 = tpu.vector_load %arg7[%swap3A_226] {strides = array<i32>} : memref<320xf32, #tpu.memory_space<vmem>>, vector<16xf32>,
    tpu.vector_store %arg7[%swap3A_226], %add3A_225 {strides = array<i32>} : memref<320xf32, #tpu.memory_space<vmem>>, vector<16xf32>,
    %get3A_228 = arith.constant 48 : index
    %get3A_229 = tpu.vector_load %arg6[%get3A_228] {strides = array<i32>} : memref<5120xf32, #tpu.memory_space<vmem>>, vector<16xf32>,
    %get3A_230 = arith.constant 368 : index
    %get3A_231 = tpu.vector_load %arg6[%get3A_230] {strides = array<i32>} : memref<5120xf32, #tpu.memory_space<vmem>>, vector<16xf32>,
    %add3A_232 = arith.addf %get3A_229, %get3A_231 : vector<16xf32>
    %get3A_233 = arith.constant 688 : index
    %get3A_234 = tpu.vector_load %arg6[%get3A_233] {strides = array<i32>} : memref<5120xf32, #tpu.memory_space<vmem>>, vector<16xf32>,
    %add3A_235 = arith.addf %add3A_232, %get3A_234 : vector<16xf32>
    %get3A_236 = arith.constant 1008 : index
    %get3A_237 = tpu.vector_load %arg6[%get3A_236] {strides = array<i32>} : memref<5120xf32, #tpu.memory_space<vmem>>, vector<16xf32>,
    %add3A_238 = arith.addf %add3A_235, %get3A_237 : vector<16xf32>
    %get3A_239 = arith.constant 1328 : index
    %get3A_240 = tpu.vector_load %arg6[%get3A_239] {strides = array<i32>} : memref<5120xf32, #tpu.memory_space<vmem>>, vector<16xf32>,
    %add3A_241 = arith.addf %add3A_238, %get3A_240 : vector<16xf32>
    %get3A_242 = arith.constant 1648 : index
    %get3A_243 = tpu.vector_load %arg6[%get3A_242] {strides = array<i32>} : memref<5120xf32, #tpu.memory_space<vmem>>, vector<16xf32>,
    %add3A_244 = arith.addf %add3A_241, %get3A_243 : vector<16xf32>
    %get3A_245 = arith.constant 1968 : index
    %get3A_246 = tpu.vector_load %arg6[%get3A_245] {strides = array<i32>} : memref<5120xf32, #tpu.memory_space<vmem>>, vector<16xf32>,
    %add3A_247 = arith.addf %add3A_244, %get3A_246 : vector<16xf32>
    %get3A_248 = arith.constant 2288 : index
    %get3A_249 = tpu.vector_load %arg6[%get3A_248] {strides = array<i32>} : memref<5120xf32, #tpu.memory_space<vmem>>, vector<16xf32>,
    %add3A_250 = arith.addf %add3A_247, %get3A_249 : vector<16xf32>
    %get3A_251 = arith.constant 2608 : index
    %get3A_252 = tpu.vector_load %arg6[%get3A_251] {strides = array<i32>} : memref<5120xf32, #tpu.memory_space<vmem>>, vector<16xf32>,
    %add3A_253 = arith.addf %add3A_250, %get3A_252 : vector<16xf32>
    %get3A_254 = arith.constant 2928 : index
    %get3A_255 = tpu.vector_load %arg6[%get3A_254] {strides = array<i32>} : memref<5120xf32, #tpu.memory_space<vmem>>, vector<16xf32>,
    %add3A_256 = arith.addf %add3A_253, %get3A_255 : vector<16xf32>
    %get3A_257 = arith.constant 3248 : index
    %get3A_258 = tpu.vector_load %arg6[%get3A_257] {strides = array<i32>} : memref<5120xf32, #tpu.memory_space<vmem>>, vector<16xf32>,
    %add3A_259 = arith.addf %add3A_256, %get3A_258 : vector<16xf32>
    %get3A_260 = arith.constant 3568 : index
    %get3A_261 = tpu.vector_load %arg6[%get3A_260] {strides = array<i32>} : memref<5120xf32, #tpu.memory_space<vmem>>, vector<16xf32>,
    %add3A_262 = arith.addf %add3A_259, %get3A_261 : vector<16xf32>
    %get3A_263 = arith.constant 3888 : index
    %get3A_264 = tpu.vector_load %arg6[%get3A_263] {strides = array<i32>} : memref<5120xf32, #tpu.memory_space<vmem>>, vector<16xf32>,
    %add3A_265 = arith.addf %add3A_262, %get3A_264 : vector<16xf32>
    %get3A_266 = arith.constant 4208 : index
    %get3A_267 = tpu.vector_load %arg6[%get3A_266] {strides = array<i32>} : memref<5120xf32, #tpu.memory_space<vmem>>, vector<16xf32>,
    %add3A_268 = arith.addf %add3A_265, %get3A_267 : vector<16xf32>
    %get3A_269 = arith.constant 4528 : index
    %get3A_270 = tpu.vector_load %arg6[%get3A_269] {strides = array<i32>} : memref<5120xf32, #tpu.memory_space<vmem>>, vector<16xf32>,
    %add3A_271 = arith.addf %add3A_268, %get3A_270 : vector<16xf32>
    %get3A_272 = arith.constant 4848 : index
    %get3A_273 = tpu.vector_load %arg6[%get3A_272] {strides = array<i32>} : memref<5120xf32, #tpu.memory_space<vmem>>, vector<16xf32>,
    %add3A_274 = arith.addf %add3A_271, %get3A_273 : vector<16xf32>
    %swap3A_275 = arith.constant 48 : index
    %swap3A_276 = tpu.vector_load %arg7[%swap3A_275] {strides = array<i32>} : memref<320xf32, #tpu.memory_space<vmem>>, vector<16xf32>,
    tpu.vector_store %arg7[%swap3A_275], %add3A_274 {strides = array<i32>} : memref<320xf32, #tpu.memory_space<vmem>>, vector<16xf32>,
    %get3A_277 = arith.constant 64 : index
    %get3A_278 = tpu.vector_load %arg6[%get3A_277] {strides = array<i32>} : memref<5120xf32, #tpu.memory_space<vmem>>, vector<16xf32>,
    %get3A_279 = arith.constant 384 : index
    %get3A_280 = tpu.vector_load %arg6[%get3A_279] {strides = array<i32>} : memref<5120xf32, #tpu.memory_space<vmem>>, vector<16xf32>,
    %add3A_281 = arith.addf %get3A_278, %get3A_280 : vector<16xf32>
    %get3A_282 = arith.constant 704 : index
    %get3A_283 = tpu.vector_load %arg6[%get3A_282] {strides = array<i32>} : memref<5120xf32, #tpu.memory_space<vmem>>, vector<16xf32>,
    %add3A_284 = arith.addf %add3A_281, %get3A_283 : vector<16xf32>
    %get3A_285 = arith.constant 1024 : index
    %get3A_286 = tpu.vector_load %arg6[%get3A_285] {strides = array<i32>} : memref<5120xf32, #tpu.memory_space<vmem>>, vector<16xf32>,
    %add3A_287 = arith.addf %add3A_284, %get3A_286 : vector<16xf32>
    %get3A_288 = arith.constant 1344 : index
    %get3A_289 = tpu.vector_load %arg6[%get3A_288] {strides = array<i32>} : memref<5120xf32, #tpu.memory_space<vmem>>, vector<16xf32>,
    %add3A_290 = arith.addf %add3A_287, %get3A_289 : vector<16xf32>
    %get3A_291 = arith.constant 1664 : index
    %get3A_292 = tpu.vector_load %arg6[%get3A_291] {strides = array<i32>} : memref<5120xf32, #tpu.memory_space<vmem>>, vector<16xf32>,
    %add3A_293 = arith.addf %add3A_290, %get3A_292 : vector<16xf32>
    %get3A_294 = arith.constant 1984 : index
    %get3A_295 = tpu.vector_load %arg6[%get3A_294] {strides = array<i32>} : memref<5120xf32, #tpu.memory_space<vmem>>, vector<16xf32>,
    %add3A_296 = arith.addf %add3A_293, %get3A_295 : vector<16xf32>
    %get3A_297 = arith.constant 2304 : index
    %get3A_298 = tpu.vector_load %arg6[%get3A_297] {strides = array<i32>} : memref<5120xf32, #tpu.memory_space<vmem>>, vector<16xf32>,
    %add3A_299 = arith.addf %add3A_296, %get3A_298 : vector<16xf32>
    %get3A_300 = arith.constant 2624 : index
    %get3A_301 = tpu.vector_load %arg6[%get3A_300] {strides = array<i32>} : memref<5120xf32, #tpu.memory_space<vmem>>, vector<16xf32>,
    %add3A_302 = arith.addf %add3A_299, %get3A_301 : vector<16xf32>
    %get3A_303 = arith.constant 2944 : index
    %get3A_304 = tpu.vector_load %arg6[%get3A_303] {strides = array<i32>} : memref<5120xf32, #tpu.memory_space<vmem>>, vector<16xf32>,
    %add3A_305 = arith.addf %add3A_302, %get3A_304 : vector<16xf32>
    %get3A_306 = arith.constant 3264 : index
    %get3A_307 = tpu.vector_load %arg6[%get3A_306] {strides = array<i32>} : memref<5120xf32, #tpu.memory_space<vmem>>, vector<16xf32>,
    %add3A_308 = arith.addf %add3A_305, %get3A_307 : vector<16xf32>
    %get3A_309 = arith.constant 3584 : index
    %get3A_310 = tpu.vector_load %arg6[%get3A_309] {strides = array<i32>} : memref<5120xf32, #tpu.memory_space<vmem>>, vector<16xf32>,
    %add3A_311 = arith.addf %add3A_308, %get3A_310 : vector<16xf32>
    %get3A_312 = arith.constant 3904 : index
    %get3A_313 = tpu.vector_load %arg6[%get3A_312] {strides = array<i32>} : memref<5120xf32, #tpu.memory_space<vmem>>, vector<16xf32>,
    %add3A_314 = arith.addf %add3A_311, %get3A_313 : vector<16xf32>
    %get3A_315 = arith.constant 4224 : index
    %get3A_316 = tpu.vector_load %arg6[%get3A_315] {strides = array<i32>} : memref<5120xf32, #tpu.memory_space<vmem>>, vector<16xf32>,
    %add3A_317 = arith.addf %add3A_314, %get3A_316 : vector<16xf32>
    %get3A_318 = arith.constant 4544 : index
    %get3A_319 = tpu.vector_load %arg6[%get3A_318] {strides = array<i32>} : memref<5120xf32, #tpu.memory_space<vmem>>, vector<16xf32>,
    %add3A_320 = arith.addf %add3A_317, %get3A_319 : vector<16xf32>
    %get3A_321 = arith.constant 4864 : index
    %get3A_322 = tpu.vector_load %arg6[%get3A_321] {strides = array<i32>} : memref<5120xf32, #tpu.memory_space<vmem>>, vector<16xf32>,
    %add3A_323 = arith.addf %add3A_320, %get3A_322 : vector<16xf32>
    %swap3A_324 = arith.constant 64 : index
    %swap3A_325 = tpu.vector_load %arg7[%swap3A_324] {strides = array<i32>} : memref<320xf32, #tpu.memory_space<vmem>>, vector<16xf32>,
    tpu.vector_store %arg7[%swap3A_324], %add3A_323 {strides = array<i32>} : memref<320xf32, #tpu.memory_space<vmem>>, vector<16xf32>,
    %get3A_326 = arith.constant 80 : index
    %get3A_327 = tpu.vector_load %arg6[%get3A_326] {strides = array<i32>} : memref<5120xf32, #tpu.memory_space<vmem>>, vector<16xf32>,
    %get3A_328 = arith.constant 400 : index
    %get3A_329 = tpu.vector_load %arg6[%get3A_328] {strides = array<i32>} : memref<5120xf32, #tpu.memory_space<vmem>>, vector<16xf32>,
    %add3A_330 = arith.addf %get3A_327, %get3A_329 : vector<16xf32>
    %get3A_331 = arith.constant 720 : index
    %get3A_332 = tpu.vector_load %arg6[%get3A_331] {strides = array<i32>} : memref<5120xf32, #tpu.memory_space<vmem>>, vector<16xf32>,
    %add3A_333 = arith.addf %add3A_330, %get3A_332 : vector<16xf32>
    %get3A_334 = arith.constant 1040 : index
    %get3A_335 = tpu.vector_load %arg6[%get3A_334] {strides = array<i32>} : memref<5120xf32, #tpu.memory_space<vmem>>, vector<16xf32>,
    %add3A_336 = arith.addf %add3A_333, %get3A_335 : vector<16xf32>
    %get3A_337 = arith.constant 1360 : index
    %get3A_338 = tpu.vector_load %arg6[%get3A_337] {strides = array<i32>} : memref<5120xf32, #tpu.memory_space<vmem>>, vector<16xf32>,
    %add3A_339 = arith.addf %add3A_336, %get3A_338 : vector<16xf32>
    %get3A_340 = arith.constant 1680 : index
    %get3A_341 = tpu.vector_load %arg6[%get3A_340] {strides = array<i32>} : memref<5120xf32, #tpu.memory_space<vmem>>, vector<16xf32>,
    %add3A_342 = arith.addf %add3A_339, %get3A_341 : vector<16xf32>
    %get3A_343 = arith.constant 2000 : index
    %get3A_344 = tpu.vector_load %arg6[%get3A_343] {strides = array<i32>} : memref<5120xf32, #tpu.memory_space<vmem>>, vector<16xf32>,
    %add3A_345 = arith.addf %add3A_342, %get3A_344 : vector<16xf32>
    %get3A_346 = arith.constant 2320 : index
    %get3A_347 = tpu.vector_load %arg6[%get3A_346] {strides = array<i32>} : memref<5120xf32, #tpu.memory_space<vmem>>, vector<16xf32>,
    %add3A_348 = arith.addf %add3A_345, %get3A_347 : vector<16xf32>
    %get3A_349 = arith.constant 2640 : index
    %get3A_350 = tpu.vector_load %arg6[%get3A_349] {strides = array<i32>} : memref<5120xf32, #tpu.memory_space<vmem>>, vector<16xf32>,
    %add3A_351 = arith.addf %add3A_348, %get3A_350 : vector<16xf32>
    %get3A_352 = arith.constant 2960 : index
    %get3A_353 = tpu.vector_load %arg6[%get3A_352] {strides = array<i32>} : memref<5120xf32, #tpu.memory_space<vmem>>, vector<16xf32>,
    %add3A_354 = arith.addf %add3A_351, %get3A_353 : vector<16xf32>
    %get3A_355 = arith.constant 3280 : index
    %get3A_356 = tpu.vector_load %arg6[%get3A_355] {strides = array<i32>} : memref<5120xf32, #tpu.memory_space<vmem>>, vector<16xf32>,
    %add3A_357 = arith.addf %add3A_354, %get3A_356 : vector<16xf32>
    %get3A_358 = arith.constant 3600 : index
    %get3A_359 = tpu.vector_load %arg6[%get3A_358] {strides = array<i32>} : memref<5120xf32, #tpu.memory_space<vmem>>, vector<16xf32>,
    %add3A_360 = arith.addf %add3A_357, %get3A_359 : vector<16xf32>
    %get3A_361 = arith.constant 3920 : index
    %get3A_362 = tpu.vector_load %arg6[%get3A_361] {strides = array<i32>} : memref<5120xf32, #tpu.memory_space<vmem>>, vector<16xf32>,
    %add3A_363 = arith.addf %add3A_360, %get3A_362 : vector<16xf32>
    %get3A_364 = arith.constant 4240 : index
    %get3A_365 = tpu.vector_load %arg6[%get3A_364] {strides = array<i32>} : memref<5120xf32, #tpu.memory_space<vmem>>, vector<16xf32>,
    %add3A_366 = arith.addf %add3A_363, %get3A_365 : vector<16xf32>
    %get3A_367 = arith.constant 4560 : index
    %get3A_368 = tpu.vector_load %arg6[%get3A_367] {strides = array<i32>} : memref<5120xf32, #tpu.memory_space<vmem>>, vector<16xf32>,
    %add3A_369 = arith.addf %add3A_366, %get3A_368 : vector<16xf32>
    %get3A_370 = arith.constant 4880 : index
    %get3A_371 = tpu.vector_load %arg6[%get3A_370] {strides = array<i32>} : memref<5120xf32, #tpu.memory_space<vmem>>, vector<16xf32>,
    %add3A_372 = arith.addf %add3A_369, %get3A_371 : vector<16xf32>
    %swap3A_373 = arith.constant 80 : index
    %swap3A_374 = tpu.vector_load %arg7[%swap3A_373] {strides = array<i32>} : memref<320xf32, #tpu.memory_space<vmem>>, vector<16xf32>,
    tpu.vector_store %arg7[%swap3A_373], %add3A_372 {strides = array<i32>} : memref<320xf32, #tpu.memory_space<vmem>>, vector<16xf32>,
    %get3A_375 = arith.constant 96 : index
    %get3A_376 = tpu.vector_load %arg6[%get3A_375] {strides = array<i32>} : memref<5120xf32, #tpu.memory_space<vmem>>, vector<16xf32>,
    %get3A_377 = arith.constant 416 : index
    %get3A_378 = tpu.vector_load %arg6[%get3A_377] {strides = array<i32>} : memref<5120xf32, #tpu.memory_space<vmem>>, vector<16xf32>,
    %add3A_379 = arith.addf %get3A_376, %get3A_378 : vector<16xf32>
    %get3A_380 = arith.constant 736 : index
    %get3A_381 = tpu.vector_load %arg6[%get3A_380] {strides = array<i32>} : memref<5120xf32, #tpu.memory_space<vmem>>, vector<16xf32>,
    %add3A_382 = arith.addf %add3A_379, %get3A_381 : vector<16xf32>
    %get3A_383 = arith.constant 1056 : index
    %get3A_384 = tpu.vector_load %arg6[%get3A_383] {strides = array<i32>} : memref<5120xf32, #tpu.memory_space<vmem>>, vector<16xf32>,
    %add3A_385 = arith.addf %add3A_382, %get3A_384 : vector<16xf32>
    %get3A_386 = arith.constant 1376 : index
    %get3A_387 = tpu.vector_load %arg6[%get3A_386] {strides = array<i32>} : memref<5120xf32, #tpu.memory_space<vmem>>, vector<16xf32>,
    %add3A_388 = arith.addf %add3A_385, %get3A_387 : vector<16xf32>
    %get3A_389 = arith.constant 1696 : index
    %get3A_390 = tpu.vector_load %arg6[%get3A_389] {strides = array<i32>} : memref<5120xf32, #tpu.memory_space<vmem>>, vector<16xf32>,
    %add3A_391 = arith.addf %add3A_388, %get3A_390 : vector<16xf32>
    %get3A_392 = arith.constant 2016 : index
    %get3A_393 = tpu.vector_load %arg6[%get3A_392] {strides = array<i32>} : memref<5120xf32, #tpu.memory_space<vmem>>, vector<16xf32>,
    %add3A_394 = arith.addf %add3A_391, %get3A_393 : vector<16xf32>
    %get3A_395 = arith.constant 2336 : index
    %get3A_396 = tpu.vector_load %arg6[%get3A_395] {strides = array<i32>} : memref<5120xf32, #tpu.memory_space<vmem>>, vector<16xf32>,
    %add3A_397 = arith.addf %add3A_394, %get3A_396 : vector<16xf32>
    %get3A_398 = arith.constant 2656 : index
    %get3A_399 = tpu.vector_load %arg6[%get3A_398] {strides = array<i32>} : memref<5120xf32, #tpu.memory_space<vmem>>, vector<16xf32>,
    %add3A_400 = arith.addf %add3A_397, %get3A_399 : vector<16xf32>
    %get3A_401 = arith.constant 2976 : index
    %get3A_402 = tpu.vector_load %arg6[%get3A_401] {strides = array<i32>} : memref<5120xf32, #tpu.memory_space<vmem>>, vector<16xf32>,
    %add3A_403 = arith.addf %add3A_400, %get3A_402 : vector<16xf32>
    %get3A_404 = arith.constant 3296 : index
    %get3A_405 = tpu.vector_load %arg6[%get3A_404] {strides = array<i32>} : memref<5120xf32, #tpu.memory_space<vmem>>, vector<16xf32>,
    %add3A_406 = arith.addf %add3A_403, %get3A_405 : vector<16xf32>
    %get3A_407 = arith.constant 3616 : index
    %get3A_408 = tpu.vector_load %arg6[%get3A_407] {strides = array<i32>} : memref<5120xf32, #tpu.memory_space<vmem>>, vector<16xf32>,
    %add3A_409 = arith.addf %add3A_406, %get3A_408 : vector<16xf32>
    %get3A_410 = arith.constant 3936 : index
    %get3A_411 = tpu.vector_load %arg6[%get3A_410] {strides = array<i32>} : memref<5120xf32, #tpu.memory_space<vmem>>, vector<16xf32>,
    %add3A_412 = arith.addf %add3A_409, %get3A_411 : vector<16xf32>
    %get3A_413 = arith.constant 4256 : index
    %get3A_414 = tpu.vector_load %arg6[%get3A_413] {strides = array<i32>} : memref<5120xf32, #tpu.memory_space<vmem>>, vector<16xf32>,
    %add3A_415 = arith.addf %add3A_412, %get3A_414 : vector<16xf32>
    %get3A_416 = arith.constant 4576 : index
    %get3A_417 = tpu.vector_load %arg6[%get3A_416] {strides = array<i32>} : memref<5120xf32, #tpu.memory_space<vmem>>, vector<16xf32>,
    %add3A_418 = arith.addf %add3A_415, %get3A_417 : vector<16xf32>
    %get3A_419 = arith.constant 4896 : index
    %get3A_420 = tpu.vector_load %arg6[%get3A_419] {strides = array<i32>} : memref<5120xf32, #tpu.memory_space<vmem>>, vector<16xf32>,
    %add3A_421 = arith.addf %add3A_418, %get3A_420 : vector<16xf32>
    %swap3A_422 = arith.constant 96 : index
    %swap3A_423 = tpu.vector_load %arg7[%swap3A_422] {strides = array<i32>} : memref<320xf32, #tpu.memory_space<vmem>>, vector<16xf32>,
    tpu.vector_store %arg7[%swap3A_422], %add3A_421 {strides = array<i32>} : memref<320xf32, #tpu.memory_space<vmem>>, vector<16xf32>,
    %get3A_424 = arith.constant 112 : index
    %get3A_425 = tpu.vector_load %arg6[%get3A_424] {strides = array<i32>} : memref<5120xf32, #tpu.memory_space<vmem>>, vector<16xf32>,
    %get3A_426 = arith.constant 432 : index
    %get3A_427 = tpu.vector_load %arg6[%get3A_426] {strides = array<i32>} : memref<5120xf32, #tpu.memory_space<vmem>>, vector<16xf32>,
    %add3A_428 = arith.addf %get3A_425, %get3A_427 : vector<16xf32>
    %get3A_429 = arith.constant 752 : index
    %get3A_430 = tpu.vector_load %arg6[%get3A_429] {strides = array<i32>} : memref<5120xf32, #tpu.memory_space<vmem>>, vector<16xf32>,
    %add3A_431 = arith.addf %add3A_428, %get3A_430 : vector<16xf32>
    %get3A_432 = arith.constant 1072 : index
    %get3A_433 = tpu.vector_load %arg6[%get3A_432] {strides = array<i32>} : memref<5120xf32, #tpu.memory_space<vmem>>, vector<16xf32>,
    %add3A_434 = arith.addf %add3A_431, %get3A_433 : vector<16xf32>
    %get3A_435 = arith.constant 1392 : index
    %get3A_436 = tpu.vector_load %arg6[%get3A_435] {strides = array<i32>} : memref<5120xf32, #tpu.memory_space<vmem>>, vector<16xf32>,
    %add3A_437 = arith.addf %add3A_434, %get3A_436 : vector<16xf32>
    %get3A_438 = arith.constant 1712 : index
    %get3A_439 = tpu.vector_load %arg6[%get3A_438] {strides = array<i32>} : memref<5120xf32, #tpu.memory_space<vmem>>, vector<16xf32>,
    %add3A_440 = arith.addf %add3A_437, %get3A_439 : vector<16xf32>
    %get3A_441 = arith.constant 2032 : index
    %get3A_442 = tpu.vector_load %arg6[%get3A_441] {strides = array<i32>} : memref<5120xf32, #tpu.memory_space<vmem>>, vector<16xf32>,
    %add3A_443 = arith.addf %add3A_440, %get3A_442 : vector<16xf32>
    %get3A_444 = arith.constant 2352 : index
    %get3A_445 = tpu.vector_load %arg6[%get3A_444] {strides = array<i32>} : memref<5120xf32, #tpu.memory_space<vmem>>, vector<16xf32>,
    %add3A_446 = arith.addf %add3A_443, %get3A_445 : vector<16xf32>
    %get3A_447 = arith.constant 2672 : index
    %get3A_448 = tpu.vector_load %arg6[%get3A_447] {strides = array<i32>} : memref<5120xf32, #tpu.memory_space<vmem>>, vector<16xf32>,
    %add3A_449 = arith.addf %add3A_446, %get3A_448 : vector<16xf32>
    %get3A_450 = arith.constant 2992 : index
    %get3A_451 = tpu.vector_load %arg6[%get3A_450] {strides = array<i32>} : memref<5120xf32, #tpu.memory_space<vmem>>, vector<16xf32>,
    %add3A_452 = arith.addf %add3A_449, %get3A_451 : vector<16xf32>
    %get3A_453 = arith.constant 3312 : index
    %get3A_454 = tpu.vector_load %arg6[%get3A_453] {strides = array<i32>} : memref<5120xf32, #tpu.memory_space<vmem>>, vector<16xf32>,
    %add3A_455 = arith.addf %add3A_452, %get3A_454 : vector<16xf32>
    %get3A_456 = arith.constant 3632 : index
    %get3A_457 = tpu.vector_load %arg6[%get3A_456] {strides = array<i32>} : memref<5120xf32, #tpu.memory_space<vmem>>, vector<16xf32>,
    %add3A_458 = arith.addf %add3A_455, %get3A_457 : vector<16xf32>
    %get3A_459 = arith.constant 3952 : index
    %get3A_460 = tpu.vector_load %arg6[%get3A_459] {strides = array<i32>} : memref<5120xf32, #tpu.memory_space<vmem>>, vector<16xf32>,
    %add3A_461 = arith.addf %add3A_458, %get3A_460 : vector<16xf32>
    %get3A_462 = arith.constant 4272 : index
    %get3A_463 = tpu.vector_load %arg6[%get3A_462] {strides = array<i32>} : memref<5120xf32, #tpu.memory_space<vmem>>, vector<16xf32>,
    %add3A_464 = arith.addf %add3A_461, %get3A_463 : vector<16xf32>
    %get3A_465 = arith.constant 4592 : index
    %get3A_466 = tpu.vector_load %arg6[%get3A_465] {strides = array<i32>} : memref<5120xf32, #tpu.memory_space<vmem>>, vector<16xf32>,
    %add3A_467 = arith.addf %add3A_464, %get3A_466 : vector<16xf32>
    %get3A_468 = arith.constant 4912 : index
    %get3A_469 = tpu.vector_load %arg6[%get3A_468] {strides = array<i32>} : memref<5120xf32, #tpu.memory_space<vmem>>, vector<16xf32>,
    %add3A_470 = arith.addf %add3A_467, %get3A_469 : vector<16xf32>
    %swap3A_471 = arith.constant 112 : index
    %swap3A_472 = tpu.vector_load %arg7[%swap3A_471] {strides = array<i32>} : memref<320xf32, #tpu.memory_space<vmem>>, vector<16xf32>,
    tpu.vector_store %arg7[%swap3A_471], %add3A_470 {strides = array<i32>} : memref<320xf32, #tpu.memory_space<vmem>>, vector<16xf32>,
    %get3A_473 = arith.constant 128 : index
    %get3A_474 = tpu.vector_load %arg6[%get3A_473] {strides = array<i32>} : memref<5120xf32, #tpu.memory_space<vmem>>, vector<16xf32>,
    %get3A_475 = arith.constant 448 : index
    %get3A_476 = tpu.vector_load %arg6[%get3A_475] {strides = array<i32>} : memref<5120xf32, #tpu.memory_space<vmem>>, vector<16xf32>,
    %add3A_477 = arith.addf %get3A_474, %get3A_476 : vector<16xf32>
    %get3A_478 = arith.constant 768 : index
    %get3A_479 = tpu.vector_load %arg6[%get3A_478] {strides = array<i32>} : memref<5120xf32, #tpu.memory_space<vmem>>, vector<16xf32>,
    %add3A_480 = arith.addf %add3A_477, %get3A_479 : vector<16xf32>
    %get3A_481 = arith.constant 1088 : index
    %get3A_482 = tpu.vector_load %arg6[%get3A_481] {strides = array<i32>} : memref<5120xf32, #tpu.memory_space<vmem>>, vector<16xf32>,
    %add3A_483 = arith.addf %add3A_480, %get3A_482 : vector<16xf32>
    %get3A_484 = arith.constant 1408 : index
    %get3A_485 = tpu.vector_load %arg6[%get3A_484] {strides = array<i32>} : memref<5120xf32, #tpu.memory_space<vmem>>, vector<16xf32>,
    %add3A_486 = arith.addf %add3A_483, %get3A_485 : vector<16xf32>
    %get3A_487 = arith.constant 1728 : index
    %get3A_488 = tpu.vector_load %arg6[%get3A_487] {strides = array<i32>} : memref<5120xf32, #tpu.memory_space<vmem>>, vector<16xf32>,
    %add3A_489 = arith.addf %add3A_486, %get3A_488 : vector<16xf32>
    %get3A_490 = arith.constant 2048 : index
    %get3A_491 = tpu.vector_load %arg6[%get3A_490] {strides = array<i32>} : memref<5120xf32, #tpu.memory_space<vmem>>, vector<16xf32>,
    %add3A_492 = arith.addf %add3A_489, %get3A_491 : vector<16xf32>
    %get3A_493 = arith.constant 2368 : index
    %get3A_494 = tpu.vector_load %arg6[%get3A_493] {strides = array<i32>} : memref<5120xf32, #tpu.memory_space<vmem>>, vector<16xf32>,
    %add3A_495 = arith.addf %add3A_492, %get3A_494 : vector<16xf32>
    %get3A_496 = arith.constant 2688 : index
    %get3A_497 = tpu.vector_load %arg6[%get3A_496] {strides = array<i32>} : memref<5120xf32, #tpu.memory_space<vmem>>, vector<16xf32>,
    %add3A_498 = arith.addf %add3A_495, %get3A_497 : vector<16xf32>
    %get3A_499 = arith.constant 3008 : index
    %get3A_500 = tpu.vector_load %arg6[%get3A_499] {strides = array<i32>} : memref<5120xf32, #tpu.memory_space<vmem>>, vector<16xf32>,
    %add3A_501 = arith.addf %add3A_498, %get3A_500 : vector<16xf32>
    %get3A_502 = arith.constant 3328 : index
    %get3A_503 = tpu.vector_load %arg6[%get3A_502] {strides = array<i32>} : memref<5120xf32, #tpu.memory_space<vmem>>, vector<16xf32>,
    %add3A_504 = arith.addf %add3A_501, %get3A_503 : vector<16xf32>
    %get3A_505 = arith.constant 3648 : index
    %get3A_506 = tpu.vector_load %arg6[%get3A_505] {strides = array<i32>} : memref<5120xf32, #tpu.memory_space<vmem>>, vector<16xf32>,
    %add3A_507 = arith.addf %add3A_504, %get3A_506 : vector<16xf32>
    %get3A_508 = arith.constant 3968 : index
    %get3A_509 = tpu.vector_load %arg6[%get3A_508] {strides = array<i32>} : memref<5120xf32, #tpu.memory_space<vmem>>, vector<16xf32>,
    %add3A_510 = arith.addf %add3A_507, %get3A_509 : vector<16xf32>
    %get3A_511 = arith.constant 4288 : index
    %get3A_512 = tpu.vector_load %arg6[%get3A_511] {strides = array<i32>} : memref<5120xf32, #tpu.memory_space<vmem>>, vector<16xf32>,
    %add3A_513 = arith.addf %add3A_510, %get3A_512 : vector<16xf32>
    %get3A_514 = arith.constant 4608 : index
    %get3A_515 = tpu.vector_load %arg6[%get3A_514] {strides = array<i32>} : memref<5120xf32, #tpu.memory_space<vmem>>, vector<16xf32>,
    %add3A_516 = arith.addf %add3A_513, %get3A_515 : vector<16xf32>
    %get3A_517 = arith.constant 4928 : index
    %get3A_518 = tpu.vector_load %arg6[%get3A_517] {strides = array<i32>} : memref<5120xf32, #tpu.memory_space<vmem>>, vector<16xf32>,
    %add3A_519 = arith.addf %add3A_516, %get3A_518 : vector<16xf32>
    %swap3A_520 = arith.constant 128 : index
    %swap3A_521 = tpu.vector_load %arg7[%swap3A_520] {strides = array<i32>} : memref<320xf32, #tpu.memory_space<vmem>>, vector<16xf32>,
    tpu.vector_store %arg7[%swap3A_520], %add3A_519 {strides = array<i32>} : memref<320xf32, #tpu.memory_space<vmem>>, vector<16xf32>,
    %get3A_522 = arith.constant 144 : index
    %get3A_523 = tpu.vector_load %arg6[%get3A_522] {strides = array<i32>} : memref<5120xf32, #tpu.memory_space<vmem>>, vector<16xf32>,
    %get3A_524 = arith.constant 464 : index
    %get3A_525 = tpu.vector_load %arg6[%get3A_524] {strides = array<i32>} : memref<5120xf32, #tpu.memory_space<vmem>>, vector<16xf32>,
    %add3A_526 = arith.addf %get3A_523, %get3A_525 : vector<16xf32>
    %get3A_527 = arith.constant 784 : index
    %get3A_528 = tpu.vector_load %arg6[%get3A_527] {strides = array<i32>} : memref<5120xf32, #tpu.memory_space<vmem>>, vector<16xf32>,
    %add3A_529 = arith.addf %add3A_526, %get3A_528 : vector<16xf32>
    %get3A_530 = arith.constant 1104 : index
    %get3A_531 = tpu.vector_load %arg6[%get3A_530] {strides = array<i32>} : memref<5120xf32, #tpu.memory_space<vmem>>, vector<16xf32>,
    %add3A_532 = arith.addf %add3A_529, %get3A_531 : vector<16xf32>
    %get3A_533 = arith.constant 1424 : index
    %get3A_534 = tpu.vector_load %arg6[%get3A_533] {strides = array<i32>} : memref<5120xf32, #tpu.memory_space<vmem>>, vector<16xf32>,
    %add3A_535 = arith.addf %add3A_532, %get3A_534 : vector<16xf32>
    %get3A_536 = arith.constant 1744 : index
    %get3A_537 = tpu.vector_load %arg6[%get3A_536] {strides = array<i32>} : memref<5120xf32, #tpu.memory_space<vmem>>, vector<16xf32>,
    %add3A_538 = arith.addf %add3A_535, %get3A_537 : vector<16xf32>
    %get3A_539 = arith.constant 2064 : index
    %get3A_540 = tpu.vector_load %arg6[%get3A_539] {strides = array<i32>} : memref<5120xf32, #tpu.memory_space<vmem>>, vector<16xf32>,
    %add3A_541 = arith.addf %add3A_538, %get3A_540 : vector<16xf32>
    %get3A_542 = arith.constant 2384 : index
    %get3A_543 = tpu.vector_load %arg6[%get3A_542] {strides = array<i32>} : memref<5120xf32, #tpu.memory_space<vmem>>, vector<16xf32>,
    %add3A_544 = arith.addf %add3A_541, %get3A_543 : vector<16xf32>
    %get3A_545 = arith.constant 2704 : index
    %get3A_546 = tpu.vector_load %arg6[%get3A_545] {strides = array<i32>} : memref<5120xf32, #tpu.memory_space<vmem>>, vector<16xf32>,
    %add3A_547 = arith.addf %add3A_544, %get3A_546 : vector<16xf32>
    %get3A_548 = arith.constant 3024 : index
    %get3A_549 = tpu.vector_load %arg6[%get3A_548] {strides = array<i32>} : memref<5120xf32, #tpu.memory_space<vmem>>, vector<16xf32>,
    %add3A_550 = arith.addf %add3A_547, %get3A_549 : vector<16xf32>
    %get3A_551 = arith.constant 3344 : index
    %get3A_552 = tpu.vector_load %arg6[%get3A_551] {strides = array<i32>} : memref<5120xf32, #tpu.memory_space<vmem>>, vector<16xf32>,
    %add3A_553 = arith.addf %add3A_550, %get3A_552 : vector<16xf32>
    %get3A_554 = arith.constant 3664 : index
    %get3A_555 = tpu.vector_load %arg6[%get3A_554] {strides = array<i32>} : memref<5120xf32, #tpu.memory_space<vmem>>, vector<16xf32>,
    %add3A_556 = arith.addf %add3A_553, %get3A_555 : vector<16xf32>
    %get3A_557 = arith.constant 3984 : index
    %get3A_558 = tpu.vector_load %arg6[%get3A_557] {strides = array<i32>} : memref<5120xf32, #tpu.memory_space<vmem>>, vector<16xf32>,
    %add3A_559 = arith.addf %add3A_556, %get3A_558 : vector<16xf32>
    %get3A_560 = arith.constant 4304 : index
    %get3A_561 = tpu.vector_load %arg6[%get3A_560] {strides = array<i32>} : memref<5120xf32, #tpu.memory_space<vmem>>, vector<16xf32>,
    %add3A_562 = arith.addf %add3A_559, %get3A_561 : vector<16xf32>
    %get3A_563 = arith.constant 4624 : index
    %get3A_564 = tpu.vector_load %arg6[%get3A_563] {strides = array<i32>} : memref<5120xf32, #tpu.memory_space<vmem>>, vector<16xf32>,
    %add3A_565 = arith.addf %add3A_562, %get3A_564 : vector<16xf32>
    %get3A_566 = arith.constant 4944 : index
    %get3A_567 = tpu.vector_load %arg6[%get3A_566] {strides = array<i32>} : memref<5120xf32, #tpu.memory_space<vmem>>, vector<16xf32>,
    %add3A_568 = arith.addf %add3A_565, %get3A_567 : vector<16xf32>
    %swap3A_569 = arith.constant 144 : index
    %swap3A_570 = tpu.vector_load %arg7[%swap3A_569] {strides = array<i32>} : memref<320xf32, #tpu.memory_space<vmem>>, vector<16xf32>,
    tpu.vector_store %arg7[%swap3A_569], %add3A_568 {strides = array<i32>} : memref<320xf32, #tpu.memory_space<vmem>>, vector<16xf32>,
    %get3A_571 = arith.constant 160 : index
    %get3A_572 = tpu.vector_load %arg6[%get3A_571] {strides = array<i32>} : memref<5120xf32, #tpu.memory_space<vmem>>, vector<16xf32>,
    %get3A_573 = arith.constant 480 : index
    %get3A_574 = tpu.vector_load %arg6[%get3A_573] {strides = array<i32>} : memref<5120xf32, #tpu.memory_space<vmem>>, vector<16xf32>,
    %add3A_575 = arith.addf %get3A_572, %get3A_574 : vector<16xf32>
    %get3A_576 = arith.constant 800 : index
    %get3A_577 = tpu.vector_load %arg6[%get3A_576] {strides = array<i32>} : memref<5120xf32, #tpu.memory_space<vmem>>, vector<16xf32>,
    %add3A_578 = arith.addf %add3A_575, %get3A_577 : vector<16xf32>
    %get3A_579 = arith.constant 1120 : index
    %get3A_580 = tpu.vector_load %arg6[%get3A_579] {strides = array<i32>} : memref<5120xf32, #tpu.memory_space<vmem>>, vector<16xf32>,
    %add3A_581 = arith.addf %add3A_578, %get3A_580 : vector<16xf32>
    %get3A_582 = arith.constant 1440 : index
    %get3A_583 = tpu.vector_load %arg6[%get3A_582] {strides = array<i32>} : memref<5120xf32, #tpu.memory_space<vmem>>, vector<16xf32>,
    %add3A_584 = arith.addf %add3A_581, %get3A_583 : vector<16xf32>
    %get3A_585 = arith.constant 1760 : index
    %get3A_586 = tpu.vector_load %arg6[%get3A_585] {strides = array<i32>} : memref<5120xf32, #tpu.memory_space<vmem>>, vector<16xf32>,
    %add3A_587 = arith.addf %add3A_584, %get3A_586 : vector<16xf32>
    %get3A_588 = arith.constant 2080 : index
    %get3A_589 = tpu.vector_load %arg6[%get3A_588] {strides = array<i32>} : memref<5120xf32, #tpu.memory_space<vmem>>, vector<16xf32>,
    %add3A_590 = arith.addf %add3A_587, %get3A_589 : vector<16xf32>
    %get3A_591 = arith.constant 2400 : index
    %get3A_592 = tpu.vector_load %arg6[%get3A_591] {strides = array<i32>} : memref<5120xf32, #tpu.memory_space<vmem>>, vector<16xf32>,
    %add3A_593 = arith.addf %add3A_590, %get3A_592 : vector<16xf32>
    %get3A_594 = arith.constant 2720 : index
    %get3A_595 = tpu.vector_load %arg6[%get3A_594] {strides = array<i32>} : memref<5120xf32, #tpu.memory_space<vmem>>, vector<16xf32>,
    %add3A_596 = arith.addf %add3A_593, %get3A_595 : vector<16xf32>
    %get3A_597 = arith.constant 3040 : index
    %get3A_598 = tpu.vector_load %arg6[%get3A_597] {strides = array<i32>} : memref<5120xf32, #tpu.memory_space<vmem>>, vector<16xf32>,
    %add3A_599 = arith.addf %add3A_596, %get3A_598 : vector<16xf32>
    %get3A_600 = arith.constant 3360 : index
    %get3A_601 = tpu.vector_load %arg6[%get3A_600] {strides = array<i32>} : memref<5120xf32, #tpu.memory_space<vmem>>, vector<16xf32>,
    %add3A_602 = arith.addf %add3A_599, %get3A_601 : vector<16xf32>
    %get3A_603 = arith.constant 3680 : index
    %get3A_604 = tpu.vector_load %arg6[%get3A_603] {strides = array<i32>} : memref<5120xf32, #tpu.memory_space<vmem>>, vector<16xf32>,
    %add3A_605 = arith.addf %add3A_602, %get3A_604 : vector<16xf32>
    %get3A_606 = arith.constant 4000 : index
    %get3A_607 = tpu.vector_load %arg6[%get3A_606] {strides = array<i32>} : memref<5120xf32, #tpu.memory_space<vmem>>, vector<16xf32>,
    %add3A_608 = arith.addf %add3A_605, %get3A_607 : vector<16xf32>
    %get3A_609 = arith.constant 4320 : index
    %get3A_610 = tpu.vector_load %arg6[%get3A_609] {strides = array<i32>} : memref<5120xf32, #tpu.memory_space<vmem>>, vector<16xf32>,
    %add3A_611 = arith.addf %add3A_608, %get3A_610 : vector<16xf32>
    %get3A_612 = arith.constant 4640 : index
    %get3A_613 = tpu.vector_load %arg6[%get3A_612] {strides = array<i32>} : memref<5120xf32, #tpu.memory_space<vmem>>, vector<16xf32>,
    %add3A_614 = arith.addf %add3A_611, %get3A_613 : vector<16xf32>
    %get3A_615 = arith.constant 4960 : index
    %get3A_616 = tpu.vector_load %arg6[%get3A_615] {strides = array<i32>} : memref<5120xf32, #tpu.memory_space<vmem>>, vector<16xf32>,
    %add3A_617 = arith.addf %add3A_614, %get3A_616 : vector<16xf32>
    %swap3A_618 = arith.constant 160 : index
    %swap3A_619 = tpu.vector_load %arg7[%swap3A_618] {strides = array<i32>} : memref<320xf32, #tpu.memory_space<vmem>>, vector<16xf32>,
    tpu.vector_store %arg7[%swap3A_618], %add3A_617 {strides = array<i32>} : memref<320xf32, #tpu.memory_space<vmem>>, vector<16xf32>,
    %get3A_620 = arith.constant 176 : index
    %get3A_621 = tpu.vector_load %arg6[%get3A_620] {strides = array<i32>} : memref<5120xf32, #tpu.memory_space<vmem>>, vector<16xf32>,
    %get3A_622 = arith.constant 496 : index
    %get3A_623 = tpu.vector_load %arg6[%get3A_622] {strides = array<i32>} : memref<5120xf32, #tpu.memory_space<vmem>>, vector<16xf32>,
    %add3A_624 = arith.addf %get3A_621, %get3A_623 : vector<16xf32>
    %get3A_625 = arith.constant 816 : index
    %get3A_626 = tpu.vector_load %arg6[%get3A_625] {strides = array<i32>} : memref<5120xf32, #tpu.memory_space<vmem>>, vector<16xf32>,
    %add3A_627 = arith.addf %add3A_624, %get3A_626 : vector<16xf32>
    %get3A_628 = arith.constant 1136 : index
    %get3A_629 = tpu.vector_load %arg6[%get3A_628] {strides = array<i32>} : memref<5120xf32, #tpu.memory_space<vmem>>, vector<16xf32>,
    %add3A_630 = arith.addf %add3A_627, %get3A_629 : vector<16xf32>
    %get3A_631 = arith.constant 1456 : index
    %get3A_632 = tpu.vector_load %arg6[%get3A_631] {strides = array<i32>} : memref<5120xf32, #tpu.memory_space<vmem>>, vector<16xf32>,
    %add3A_633 = arith.addf %add3A_630, %get3A_632 : vector<16xf32>
    %get3A_634 = arith.constant 1776 : index
    %get3A_635 = tpu.vector_load %arg6[%get3A_634] {strides = array<i32>} : memref<5120xf32, #tpu.memory_space<vmem>>, vector<16xf32>,
    %add3A_636 = arith.addf %add3A_633, %get3A_635 : vector<16xf32>
    %get3A_637 = arith.constant 2096 : index
    %get3A_638 = tpu.vector_load %arg6[%get3A_637] {strides = array<i32>} : memref<5120xf32, #tpu.memory_space<vmem>>, vector<16xf32>,
    %add3A_639 = arith.addf %add3A_636, %get3A_638 : vector<16xf32>
    %get3A_640 = arith.constant 2416 : index
    %get3A_641 = tpu.vector_load %arg6[%get3A_640] {strides = array<i32>} : memref<5120xf32, #tpu.memory_space<vmem>>, vector<16xf32>,
    %add3A_642 = arith.addf %add3A_639, %get3A_641 : vector<16xf32>
    %get3A_643 = arith.constant 2736 : index
    %get3A_644 = tpu.vector_load %arg6[%get3A_643] {strides = array<i32>} : memref<5120xf32, #tpu.memory_space<vmem>>, vector<16xf32>,
    %add3A_645 = arith.addf %add3A_642, %get3A_644 : vector<16xf32>
    %get3A_646 = arith.constant 3056 : index
    %get3A_647 = tpu.vector_load %arg6[%get3A_646] {strides = array<i32>} : memref<5120xf32, #tpu.memory_space<vmem>>, vector<16xf32>,
    %add3A_648 = arith.addf %add3A_645, %get3A_647 : vector<16xf32>
    %get3A_649 = arith.constant 3376 : index
    %get3A_650 = tpu.vector_load %arg6[%get3A_649] {strides = array<i32>} : memref<5120xf32, #tpu.memory_space<vmem>>, vector<16xf32>,
    %add3A_651 = arith.addf %add3A_648, %get3A_650 : vector<16xf32>
    %get3A_652 = arith.constant 3696 : index
    %get3A_653 = tpu.vector_load %arg6[%get3A_652] {strides = array<i32>} : memref<5120xf32, #tpu.memory_space<vmem>>, vector<16xf32>,
    %add3A_654 = arith.addf %add3A_651, %get3A_653 : vector<16xf32>
    %get3A_655 = arith.constant 4016 : index
    %get3A_656 = tpu.vector_load %arg6[%get3A_655] {strides = array<i32>} : memref<5120xf32, #tpu.memory_space<vmem>>, vector<16xf32>,
    %add3A_657 = arith.addf %add3A_654, %get3A_656 : vector<16xf32>
    %get3A_658 = arith.constant 4336 : index
    %get3A_659 = tpu.vector_load %arg6[%get3A_658] {strides = array<i32>} : memref<5120xf32, #tpu.memory_space<vmem>>, vector<16xf32>,
    %add3A_660 = arith.addf %add3A_657, %get3A_659 : vector<16xf32>
    %get3A_661 = arith.constant 4656 : index
    %get3A_662 = tpu.vector_load %arg6[%get3A_661] {strides = array<i32>} : memref<5120xf32, #tpu.memory_space<vmem>>, vector<16xf32>,
    %add3A_663 = arith.addf %add3A_660, %get3A_662 : vector<16xf32>
    %get3A_664 = arith.constant 4976 : index
    %get3A_665 = tpu.vector_load %arg6[%get3A_664] {strides = array<i32>} : memref<5120xf32, #tpu.memory_space<vmem>>, vector<16xf32>,
    %add3A_666 = arith.addf %add3A_663, %get3A_665 : vector<16xf32>
    %swap3A_667 = arith.constant 176 : index
    %swap3A_668 = tpu.vector_load %arg7[%swap3A_667] {strides = array<i32>} : memref<320xf32, #tpu.memory_space<vmem>>, vector<16xf32>,
    tpu.vector_store %arg7[%swap3A_667], %add3A_666 {strides = array<i32>} : memref<320xf32, #tpu.memory_space<vmem>>, vector<16xf32>,
    %get3A_669 = arith.constant 192 : index
    %get3A_670 = tpu.vector_load %arg6[%get3A_669] {strides = array<i32>} : memref<5120xf32, #tpu.memory_space<vmem>>, vector<16xf32>,
    %get3A_671 = arith.constant 512 : index
    %get3A_672 = tpu.vector_load %arg6[%get3A_671] {strides = array<i32>} : memref<5120xf32, #tpu.memory_space<vmem>>, vector<16xf32>,
    %add3A_673 = arith.addf %get3A_670, %get3A_672 : vector<16xf32>
    %get3A_674 = arith.constant 832 : index
    %get3A_675 = tpu.vector_load %arg6[%get3A_674] {strides = array<i32>} : memref<5120xf32, #tpu.memory_space<vmem>>, vector<16xf32>,
    %add3A_676 = arith.addf %add3A_673, %get3A_675 : vector<16xf32>
    %get3A_677 = arith.constant 1152 : index
    %get3A_678 = tpu.vector_load %arg6[%get3A_677] {strides = array<i32>} : memref<5120xf32, #tpu.memory_space<vmem>>, vector<16xf32>,
    %add3A_679 = arith.addf %add3A_676, %get3A_678 : vector<16xf32>
    %get3A_680 = arith.constant 1472 : index
    %get3A_681 = tpu.vector_load %arg6[%get3A_680] {strides = array<i32>} : memref<5120xf32, #tpu.memory_space<vmem>>, vector<16xf32>,
    %add3A_682 = arith.addf %add3A_679, %get3A_681 : vector<16xf32>
    %get3A_683 = arith.constant 1792 : index
    %get3A_684 = tpu.vector_load %arg6[%get3A_683] {strides = array<i32>} : memref<5120xf32, #tpu.memory_space<vmem>>, vector<16xf32>,
    %add3A_685 = arith.addf %add3A_682, %get3A_684 : vector<16xf32>
    %get3A_686 = arith.constant 2112 : index
    %get3A_687 = tpu.vector_load %arg6[%get3A_686] {strides = array<i32>} : memref<5120xf32, #tpu.memory_space<vmem>>, vector<16xf32>,
    %add3A_688 = arith.addf %add3A_685, %get3A_687 : vector<16xf32>
    %get3A_689 = arith.constant 2432 : index
    %get3A_690 = tpu.vector_load %arg6[%get3A_689] {strides = array<i32>} : memref<5120xf32, #tpu.memory_space<vmem>>, vector<16xf32>,
    %add3A_691 = arith.addf %add3A_688, %get3A_690 : vector<16xf32>
    %get3A_692 = arith.constant 2752 : index
    %get3A_693 = tpu.vector_load %arg6[%get3A_692] {strides = array<i32>} : memref<5120xf32, #tpu.memory_space<vmem>>, vector<16xf32>,
    %add3A_694 = arith.addf %add3A_691, %get3A_693 : vector<16xf32>
    %get3A_695 = arith.constant 3072 : index
    %get3A_696 = tpu.vector_load %arg6[%get3A_695] {strides = array<i32>} : memref<5120xf32, #tpu.memory_space<vmem>>, vector<16xf32>,
    %add3A_697 = arith.addf %add3A_694, %get3A_696 : vector<16xf32>
    %get3A_698 = arith.constant 3392 : index
    %get3A_699 = tpu.vector_load %arg6[%get3A_698] {strides = array<i32>} : memref<5120xf32, #tpu.memory_space<vmem>>, vector<16xf32>,
    %add3A_700 = arith.addf %add3A_697, %get3A_699 : vector<16xf32>
    %get3A_701 = arith.constant 3712 : index
    %get3A_702 = tpu.vector_load %arg6[%get3A_701] {strides = array<i32>} : memref<5120xf32, #tpu.memory_space<vmem>>, vector<16xf32>,
    %add3A_703 = arith.addf %add3A_700, %get3A_702 : vector<16xf32>
    %get3A_704 = arith.constant 4032 : index
    %get3A_705 = tpu.vector_load %arg6[%get3A_704] {strides = array<i32>} : memref<5120xf32, #tpu.memory_space<vmem>>, vector<16xf32>,
    %add3A_706 = arith.addf %add3A_703, %get3A_705 : vector<16xf32>
    %get3A_707 = arith.constant 4352 : index
    %get3A_708 = tpu.vector_load %arg6[%get3A_707] {strides = array<i32>} : memref<5120xf32, #tpu.memory_space<vmem>>, vector<16xf32>,
    %add3A_709 = arith.addf %add3A_706, %get3A_708 : vector<16xf32>
    %get3A_710 = arith.constant 4672 : index
    %get3A_711 = tpu.vector_load %arg6[%get3A_710] {strides = array<i32>} : memref<5120xf32, #tpu.memory_space<vmem>>, vector<16xf32>,
    %add3A_712 = arith.addf %add3A_709, %get3A_711 : vector<16xf32>
    %get3A_713 = arith.constant 4992 : index
    %get3A_714 = tpu.vector_load %arg6[%get3A_713] {strides = array<i32>} : memref<5120xf32, #tpu.memory_space<vmem>>, vector<16xf32>,
    %add3A_715 = arith.addf %add3A_712, %get3A_714 : vector<16xf32>
    %swap3A_716 = arith.constant 192 : index
    %swap3A_717 = tpu.vector_load %arg7[%swap3A_716] {strides = array<i32>} : memref<320xf32, #tpu.memory_space<vmem>>, vector<16xf32>,
    tpu.vector_store %arg7[%swap3A_716], %add3A_715 {strides = array<i32>} : memref<320xf32, #tpu.memory_space<vmem>>, vector<16xf32>,
    %get3A_718 = arith.constant 208 : index
    %get3A_719 = tpu.vector_load %arg6[%get3A_718] {strides = array<i32>} : memref<5120xf32, #tpu.memory_space<vmem>>, vector<16xf32>,
    %get3A_720 = arith.constant 528 : index
    %get3A_721 = tpu.vector_load %arg6[%get3A_720] {strides = array<i32>} : memref<5120xf32, #tpu.memory_space<vmem>>, vector<16xf32>,
    %add3A_722 = arith.addf %get3A_719, %get3A_721 : vector<16xf32>
    %get3A_723 = arith.constant 848 : index
    %get3A_724 = tpu.vector_load %arg6[%get3A_723] {strides = array<i32>} : memref<5120xf32, #tpu.memory_space<vmem>>, vector<16xf32>,
    %add3A_725 = arith.addf %add3A_722, %get3A_724 : vector<16xf32>
    %get3A_726 = arith.constant 1168 : index
    %get3A_727 = tpu.vector_load %arg6[%get3A_726] {strides = array<i32>} : memref<5120xf32, #tpu.memory_space<vmem>>, vector<16xf32>,
    %add3A_728 = arith.addf %add3A_725, %get3A_727 : vector<16xf32>
    %get3A_729 = arith.constant 1488 : index
    %get3A_730 = tpu.vector_load %arg6[%get3A_729] {strides = array<i32>} : memref<5120xf32, #tpu.memory_space<vmem>>, vector<16xf32>,
    %add3A_731 = arith.addf %add3A_728, %get3A_730 : vector<16xf32>
    %get3A_732 = arith.constant 1808 : index
    %get3A_733 = tpu.vector_load %arg6[%get3A_732] {strides = array<i32>} : memref<5120xf32, #tpu.memory_space<vmem>>, vector<16xf32>,
    %add3A_734 = arith.addf %add3A_731, %get3A_733 : vector<16xf32>
    %get3A_735 = arith.constant 2128 : index
    %get3A_736 = tpu.vector_load %arg6[%get3A_735] {strides = array<i32>} : memref<5120xf32, #tpu.memory_space<vmem>>, vector<16xf32>,
    %add3A_737 = arith.addf %add3A_734, %get3A_736 : vector<16xf32>
    %get3A_738 = arith.constant 2448 : index
    %get3A_739 = tpu.vector_load %arg6[%get3A_738] {strides = array<i32>} : memref<5120xf32, #tpu.memory_space<vmem>>, vector<16xf32>,
    %add3A_740 = arith.addf %add3A_737, %get3A_739 : vector<16xf32>
    %get3A_741 = arith.constant 2768 : index
    %get3A_742 = tpu.vector_load %arg6[%get3A_741] {strides = array<i32>} : memref<5120xf32, #tpu.memory_space<vmem>>, vector<16xf32>,
    %add3A_743 = arith.addf %add3A_740, %get3A_742 : vector<16xf32>
    %get3A_744 = arith.constant 3088 : index
    %get3A_745 = tpu.vector_load %arg6[%get3A_744] {strides = array<i32>} : memref<5120xf32, #tpu.memory_space<vmem>>, vector<16xf32>,
    %add3A_746 = arith.addf %add3A_743, %get3A_745 : vector<16xf32>
    %get3A_747 = arith.constant 3408 : index
    %get3A_748 = tpu.vector_load %arg6[%get3A_747] {strides = array<i32>} : memref<5120xf32, #tpu.memory_space<vmem>>, vector<16xf32>,
    %add3A_749 = arith.addf %add3A_746, %get3A_748 : vector<16xf32>
    %get3A_750 = arith.constant 3728 : index
    %get3A_751 = tpu.vector_load %arg6[%get3A_750] {strides = array<i32>} : memref<5120xf32, #tpu.memory_space<vmem>>, vector<16xf32>,
    %add3A_752 = arith.addf %add3A_749, %get3A_751 : vector<16xf32>
    %get3A_753 = arith.constant 4048 : index
    %get3A_754 = tpu.vector_load %arg6[%get3A_753] {strides = array<i32>} : memref<5120xf32, #tpu.memory_space<vmem>>, vector<16xf32>,
    %add3A_755 = arith.addf %add3A_752, %get3A_754 : vector<16xf32>
    %get3A_756 = arith.constant 4368 : index
    %get3A_757 = tpu.vector_load %arg6[%get3A_756] {strides = array<i32>} : memref<5120xf32, #tpu.memory_space<vmem>>, vector<16xf32>,
    %add3A_758 = arith.addf %add3A_755, %get3A_757 : vector<16xf32>
    %get3A_759 = arith.constant 4688 : index
    %get3A_760 = tpu.vector_load %arg6[%get3A_759] {strides = array<i32>} : memref<5120xf32, #tpu.memory_space<vmem>>, vector<16xf32>,
    %add3A_761 = arith.addf %add3A_758, %get3A_760 : vector<16xf32>
    %get3A_762 = arith.constant 5008 : index
    %get3A_763 = tpu.vector_load %arg6[%get3A_762] {strides = array<i32>} : memref<5120xf32, #tpu.memory_space<vmem>>, vector<16xf32>,
    %add3A_764 = arith.addf %add3A_761, %get3A_763 : vector<16xf32>
    %swap3A_765 = arith.constant 208 : index
    %swap3A_766 = tpu.vector_load %arg7[%swap3A_765] {strides = array<i32>} : memref<320xf32, #tpu.memory_space<vmem>>, vector<16xf32>,
    tpu.vector_store %arg7[%swap3A_765], %add3A_764 {strides = array<i32>} : memref<320xf32, #tpu.memory_space<vmem>>, vector<16xf32>,
    %get3A_767 = arith.constant 224 : index
    %get3A_768 = tpu.vector_load %arg6[%get3A_767] {strides = array<i32>} : memref<5120xf32, #tpu.memory_space<vmem>>, vector<16xf32>,
    %get3A_769 = arith.constant 544 : index
    %get3A_770 = tpu.vector_load %arg6[%get3A_769] {strides = array<i32>} : memref<5120xf32, #tpu.memory_space<vmem>>, vector<16xf32>,
    %add3A_771 = arith.addf %get3A_768, %get3A_770 : vector<16xf32>
    %get3A_772 = arith.constant 864 : index
    %get3A_773 = tpu.vector_load %arg6[%get3A_772] {strides = array<i32>} : memref<5120xf32, #tpu.memory_space<vmem>>, vector<16xf32>,
    %add3A_774 = arith.addf %add3A_771, %get3A_773 : vector<16xf32>
    %get3A_775 = arith.constant 1184 : index
    %get3A_776 = tpu.vector_load %arg6[%get3A_775] {strides = array<i32>} : memref<5120xf32, #tpu.memory_space<vmem>>, vector<16xf32>,
    %add3A_777 = arith.addf %add3A_774, %get3A_776 : vector<16xf32>
    %get3A_778 = arith.constant 1504 : index
    %get3A_779 = tpu.vector_load %arg6[%get3A_778] {strides = array<i32>} : memref<5120xf32, #tpu.memory_space<vmem>>, vector<16xf32>,
    %add3A_780 = arith.addf %add3A_777, %get3A_779 : vector<16xf32>
    %get3A_781 = arith.constant 1824 : index
    %get3A_782 = tpu.vector_load %arg6[%get3A_781] {strides = array<i32>} : memref<5120xf32, #tpu.memory_space<vmem>>, vector<16xf32>,
    %add3A_783 = arith.addf %add3A_780, %get3A_782 : vector<16xf32>
    %get3A_784 = arith.constant 2144 : index
    %get3A_785 = tpu.vector_load %arg6[%get3A_784] {strides = array<i32>} : memref<5120xf32, #tpu.memory_space<vmem>>, vector<16xf32>,
    %add3A_786 = arith.addf %add3A_783, %get3A_785 : vector<16xf32>
    %get3A_787 = arith.constant 2464 : index
    %get3A_788 = tpu.vector_load %arg6[%get3A_787] {strides = array<i32>} : memref<5120xf32, #tpu.memory_space<vmem>>, vector<16xf32>,
    %add3A_789 = arith.addf %add3A_786, %get3A_788 : vector<16xf32>
    %get3A_790 = arith.constant 2784 : index
    %get3A_791 = tpu.vector_load %arg6[%get3A_790] {strides = array<i32>} : memref<5120xf32, #tpu.memory_space<vmem>>, vector<16xf32>,
    %add3A_792 = arith.addf %add3A_789, %get3A_791 : vector<16xf32>
    %get3A_793 = arith.constant 3104 : index
    %get3A_794 = tpu.vector_load %arg6[%get3A_793] {strides = array<i32>} : memref<5120xf32, #tpu.memory_space<vmem>>, vector<16xf32>,
    %add3A_795 = arith.addf %add3A_792, %get3A_794 : vector<16xf32>
    %get3A_796 = arith.constant 3424 : index
    %get3A_797 = tpu.vector_load %arg6[%get3A_796] {strides = array<i32>} : memref<5120xf32, #tpu.memory_space<vmem>>, vector<16xf32>,
    %add3A_798 = arith.addf %add3A_795, %get3A_797 : vector<16xf32>
    %get3A_799 = arith.constant 3744 : index
    %get3A_800 = tpu.vector_load %arg6[%get3A_799] {strides = array<i32>} : memref<5120xf32, #tpu.memory_space<vmem>>, vector<16xf32>,
    %add3A_801 = arith.addf %add3A_798, %get3A_800 : vector<16xf32>
    %get3A_802 = arith.constant 4064 : index
    %get3A_803 = tpu.vector_load %arg6[%get3A_802] {strides = array<i32>} : memref<5120xf32, #tpu.memory_space<vmem>>, vector<16xf32>,
    %add3A_804 = arith.addf %add3A_801, %get3A_803 : vector<16xf32>
    %get3A_805 = arith.constant 4384 : index
    %get3A_806 = tpu.vector_load %arg6[%get3A_805] {strides = array<i32>} : memref<5120xf32, #tpu.memory_space<vmem>>, vector<16xf32>,
    %add3A_807 = arith.addf %add3A_804, %get3A_806 : vector<16xf32>
    %get3A_808 = arith.constant 4704 : index
    %get3A_809 = tpu.vector_load %arg6[%get3A_808] {strides = array<i32>} : memref<5120xf32, #tpu.memory_space<vmem>>, vector<16xf32>,
    %add3A_810 = arith.addf %add3A_807, %get3A_809 : vector<16xf32>
    %get3A_811 = arith.constant 5024 : index
    %get3A_812 = tpu.vector_load %arg6[%get3A_811] {strides = array<i32>} : memref<5120xf32, #tpu.memory_space<vmem>>, vector<16xf32>,
    %add3A_813 = arith.addf %add3A_810, %get3A_812 : vector<16xf32>
    %swap3A_814 = arith.constant 224 : index
    %swap3A_815 = tpu.vector_load %arg7[%swap3A_814] {strides = array<i32>} : memref<320xf32, #tpu.memory_space<vmem>>, vector<16xf32>,
    tpu.vector_store %arg7[%swap3A_814], %add3A_813 {strides = array<i32>} : memref<320xf32, #tpu.memory_space<vmem>>, vector<16xf32>,
    %get3A_816 = arith.constant 240 : index
    %get3A_817 = tpu.vector_load %arg6[%get3A_816] {strides = array<i32>} : memref<5120xf32, #tpu.memory_space<vmem>>, vector<16xf32>,
    %get3A_818 = arith.constant 560 : index
    %get3A_819 = tpu.vector_load %arg6[%get3A_818] {strides = array<i32>} : memref<5120xf32, #tpu.memory_space<vmem>>, vector<16xf32>,
    %add3A_820 = arith.addf %get3A_817, %get3A_819 : vector<16xf32>
    %get3A_821 = arith.constant 880 : index
    %get3A_822 = tpu.vector_load %arg6[%get3A_821] {strides = array<i32>} : memref<5120xf32, #tpu.memory_space<vmem>>, vector<16xf32>,
    %add3A_823 = arith.addf %add3A_820, %get3A_822 : vector<16xf32>
    %get3A_824 = arith.constant 1200 : index
    %get3A_825 = tpu.vector_load %arg6[%get3A_824] {strides = array<i32>} : memref<5120xf32, #tpu.memory_space<vmem>>, vector<16xf32>,
    %add3A_826 = arith.addf %add3A_823, %get3A_825 : vector<16xf32>
    %get3A_827 = arith.constant 1520 : index
    %get3A_828 = tpu.vector_load %arg6[%get3A_827] {strides = array<i32>} : memref<5120xf32, #tpu.memory_space<vmem>>, vector<16xf32>,
    %add3A_829 = arith.addf %add3A_826, %get3A_828 : vector<16xf32>
    %get3A_830 = arith.constant 1840 : index
    %get3A_831 = tpu.vector_load %arg6[%get3A_830] {strides = array<i32>} : memref<5120xf32, #tpu.memory_space<vmem>>, vector<16xf32>,
    %add3A_832 = arith.addf %add3A_829, %get3A_831 : vector<16xf32>
    %get3A_833 = arith.constant 2160 : index
    %get3A_834 = tpu.vector_load %arg6[%get3A_833] {strides = array<i32>} : memref<5120xf32, #tpu.memory_space<vmem>>, vector<16xf32>,
    %add3A_835 = arith.addf %add3A_832, %get3A_834 : vector<16xf32>
    %get3A_836 = arith.constant 2480 : index
    %get3A_837 = tpu.vector_load %arg6[%get3A_836] {strides = array<i32>} : memref<5120xf32, #tpu.memory_space<vmem>>, vector<16xf32>,
    %add3A_838 = arith.addf %add3A_835, %get3A_837 : vector<16xf32>
    %get3A_839 = arith.constant 2800 : index
    %get3A_840 = tpu.vector_load %arg6[%get3A_839] {strides = array<i32>} : memref<5120xf32, #tpu.memory_space<vmem>>, vector<16xf32>,
    %add3A_841 = arith.addf %add3A_838, %get3A_840 : vector<16xf32>
    %get3A_842 = arith.constant 3120 : index
    %get3A_843 = tpu.vector_load %arg6[%get3A_842] {strides = array<i32>} : memref<5120xf32, #tpu.memory_space<vmem>>, vector<16xf32>,
    %add3A_844 = arith.addf %add3A_841, %get3A_843 : vector<16xf32>
    %get3A_845 = arith.constant 3440 : index
    %get3A_846 = tpu.vector_load %arg6[%get3A_845] {strides = array<i32>} : memref<5120xf32, #tpu.memory_space<vmem>>, vector<16xf32>,
    %add3A_847 = arith.addf %add3A_844, %get3A_846 : vector<16xf32>
    %get3A_848 = arith.constant 3760 : index
    %get3A_849 = tpu.vector_load %arg6[%get3A_848] {strides = array<i32>} : memref<5120xf32, #tpu.memory_space<vmem>>, vector<16xf32>,
    %add3A_850 = arith.addf %add3A_847, %get3A_849 : vector<16xf32>
    %get3A_851 = arith.constant 4080 : index
    %get3A_852 = tpu.vector_load %arg6[%get3A_851] {strides = array<i32>} : memref<5120xf32, #tpu.memory_space<vmem>>, vector<16xf32>,
    %add3A_853 = arith.addf %add3A_850, %get3A_852 : vector<16xf32>
    %get3A_854 = arith.constant 4400 : index
    %get3A_855 = tpu.vector_load %arg6[%get3A_854] {strides = array<i32>} : memref<5120xf32, #tpu.memory_space<vmem>>, vector<16xf32>,
    %add3A_856 = arith.addf %add3A_853, %get3A_855 : vector<16xf32>
    %get3A_857 = arith.constant 4720 : index
    %get3A_858 = tpu.vector_load %arg6[%get3A_857] {strides = array<i32>} : memref<5120xf32, #tpu.memory_space<vmem>>, vector<16xf32>,
    %add3A_859 = arith.addf %add3A_856, %get3A_858 : vector<16xf32>
    %get3A_860 = arith.constant 5040 : index
    %get3A_861 = tpu.vector_load %arg6[%get3A_860] {strides = array<i32>} : memref<5120xf32, #tpu.memory_space<vmem>>, vector<16xf32>,
    %add3A_862 = arith.addf %add3A_859, %get3A_861 : vector<16xf32>
    %swap3A_863 = arith.constant 240 : index
    %swap3A_864 = tpu.vector_load %arg7[%swap3A_863] {strides = array<i32>} : memref<320xf32, #tpu.memory_space<vmem>>, vector<16xf32>,
    tpu.vector_store %arg7[%swap3A_863], %add3A_862 {strides = array<i32>} : memref<320xf32, #tpu.memory_space<vmem>>, vector<16xf32>,
    %get3A_865 = arith.constant 256 : index
    %get3A_866 = tpu.vector_load %arg6[%get3A_865] {strides = array<i32>} : memref<5120xf32, #tpu.memory_space<vmem>>, vector<16xf32>,
    %get3A_867 = arith.constant 576 : index
    %get3A_868 = tpu.vector_load %arg6[%get3A_867] {strides = array<i32>} : memref<5120xf32, #tpu.memory_space<vmem>>, vector<16xf32>,
    %add3A_869 = arith.addf %get3A_866, %get3A_868 : vector<16xf32>
    %get3A_870 = arith.constant 896 : index
    %get3A_871 = tpu.vector_load %arg6[%get3A_870] {strides = array<i32>} : memref<5120xf32, #tpu.memory_space<vmem>>, vector<16xf32>,
    %add3A_872 = arith.addf %add3A_869, %get3A_871 : vector<16xf32>
    %get3A_873 = arith.constant 1216 : index
    %get3A_874 = tpu.vector_load %arg6[%get3A_873] {strides = array<i32>} : memref<5120xf32, #tpu.memory_space<vmem>>, vector<16xf32>,
    %add3A_875 = arith.addf %add3A_872, %get3A_874 : vector<16xf32>
    %get3A_876 = arith.constant 1536 : index
    %get3A_877 = tpu.vector_load %arg6[%get3A_876] {strides = array<i32>} : memref<5120xf32, #tpu.memory_space<vmem>>, vector<16xf32>,
    %add3A_878 = arith.addf %add3A_875, %get3A_877 : vector<16xf32>
    %get3A_879 = arith.constant 1856 : index
    %get3A_880 = tpu.vector_load %arg6[%get3A_879] {strides = array<i32>} : memref<5120xf32, #tpu.memory_space<vmem>>, vector<16xf32>,
    %add3A_881 = arith.addf %add3A_878, %get3A_880 : vector<16xf32>
    %get3A_882 = arith.constant 2176 : index
    %get3A_883 = tpu.vector_load %arg6[%get3A_882] {strides = array<i32>} : memref<5120xf32, #tpu.memory_space<vmem>>, vector<16xf32>,
    %add3A_884 = arith.addf %add3A_881, %get3A_883 : vector<16xf32>
    %get3A_885 = arith.constant 2496 : index
    %get3A_886 = tpu.vector_load %arg6[%get3A_885] {strides = array<i32>} : memref<5120xf32, #tpu.memory_space<vmem>>, vector<16xf32>,
    %add3A_887 = arith.addf %add3A_884, %get3A_886 : vector<16xf32>
    %get3A_888 = arith.constant 2816 : index
    %get3A_889 = tpu.vector_load %arg6[%get3A_888] {strides = array<i32>} : memref<5120xf32, #tpu.memory_space<vmem>>, vector<16xf32>,
    %add3A_890 = arith.addf %add3A_887, %get3A_889 : vector<16xf32>
    %get3A_891 = arith.constant 3136 : index
    %get3A_892 = tpu.vector_load %arg6[%get3A_891] {strides = array<i32>} : memref<5120xf32, #tpu.memory_space<vmem>>, vector<16xf32>,
    %add3A_893 = arith.addf %add3A_890, %get3A_892 : vector<16xf32>
    %get3A_894 = arith.constant 3456 : index
    %get3A_895 = tpu.vector_load %arg6[%get3A_894] {strides = array<i32>} : memref<5120xf32, #tpu.memory_space<vmem>>, vector<16xf32>,
    %add3A_896 = arith.addf %add3A_893, %get3A_895 : vector<16xf32>
    %get3A_897 = arith.constant 3776 : index
    %get3A_898 = tpu.vector_load %arg6[%get3A_897] {strides = array<i32>} : memref<5120xf32, #tpu.memory_space<vmem>>, vector<16xf32>,
    %add3A_899 = arith.addf %add3A_896, %get3A_898 : vector<16xf32>
    %get3A_900 = arith.constant 4096 : index
    %get3A_901 = tpu.vector_load %arg6[%get3A_900] {strides = array<i32>} : memref<5120xf32, #tpu.memory_space<vmem>>, vector<16xf32>,
    %add3A_902 = arith.addf %add3A_899, %get3A_901 : vector<16xf32>
    %get3A_903 = arith.constant 4416 : index
    %get3A_904 = tpu.vector_load %arg6[%get3A_903] {strides = array<i32>} : memref<5120xf32, #tpu.memory_space<vmem>>, vector<16xf32>,
    %add3A_905 = arith.addf %add3A_902, %get3A_904 : vector<16xf32>
    %get3A_906 = arith.constant 4736 : index
    %get3A_907 = tpu.vector_load %arg6[%get3A_906] {strides = array<i32>} : memref<5120xf32, #tpu.memory_space<vmem>>, vector<16xf32>,
    %add3A_908 = arith.addf %add3A_905, %get3A_907 : vector<16xf32>
    %get3A_909 = arith.constant 5056 : index
    %get3A_910 = tpu.vector_load %arg6[%get3A_909] {strides = array<i32>} : memref<5120xf32, #tpu.memory_space<vmem>>, vector<16xf32>,
    %add3A_911 = arith.addf %add3A_908, %get3A_910 : vector<16xf32>
    %swap3A_912 = arith.constant 256 : index
    %swap3A_913 = tpu.vector_load %arg7[%swap3A_912] {strides = array<i32>} : memref<320xf32, #tpu.memory_space<vmem>>, vector<16xf32>,
    tpu.vector_store %arg7[%swap3A_912], %add3A_911 {strides = array<i32>} : memref<320xf32, #tpu.memory_space<vmem>>, vector<16xf32>,
    %get3A_914 = arith.constant 272 : index
    %get3A_915 = tpu.vector_load %arg6[%get3A_914] {strides = array<i32>} : memref<5120xf32, #tpu.memory_space<vmem>>, vector<16xf32>,
    %get3A_916 = arith.constant 592 : index
    %get3A_917 = tpu.vector_load %arg6[%get3A_916] {strides = array<i32>} : memref<5120xf32, #tpu.memory_space<vmem>>, vector<16xf32>,
    %add3A_918 = arith.addf %get3A_915, %get3A_917 : vector<16xf32>
    %get3A_919 = arith.constant 912 : index
    %get3A_920 = tpu.vector_load %arg6[%get3A_919] {strides = array<i32>} : memref<5120xf32, #tpu.memory_space<vmem>>, vector<16xf32>,
    %add3A_921 = arith.addf %add3A_918, %get3A_920 : vector<16xf32>
    %get3A_922 = arith.constant 1232 : index
    %get3A_923 = tpu.vector_load %arg6[%get3A_922] {strides = array<i32>} : memref<5120xf32, #tpu.memory_space<vmem>>, vector<16xf32>,
    %add3A_924 = arith.addf %add3A_921, %get3A_923 : vector<16xf32>
    %get3A_925 = arith.constant 1552 : index
    %get3A_926 = tpu.vector_load %arg6[%get3A_925] {strides = array<i32>} : memref<5120xf32, #tpu.memory_space<vmem>>, vector<16xf32>,
    %add3A_927 = arith.addf %add3A_924, %get3A_926 : vector<16xf32>
    %get3A_928 = arith.constant 1872 : index
    %get3A_929 = tpu.vector_load %arg6[%get3A_928] {strides = array<i32>} : memref<5120xf32, #tpu.memory_space<vmem>>, vector<16xf32>,
    %add3A_930 = arith.addf %add3A_927, %get3A_929 : vector<16xf32>
    %get3A_931 = arith.constant 2192 : index
    %get3A_932 = tpu.vector_load %arg6[%get3A_931] {strides = array<i32>} : memref<5120xf32, #tpu.memory_space<vmem>>, vector<16xf32>,
    %add3A_933 = arith.addf %add3A_930, %get3A_932 : vector<16xf32>
    %get3A_934 = arith.constant 2512 : index
    %get3A_935 = tpu.vector_load %arg6[%get3A_934] {strides = array<i32>} : memref<5120xf32, #tpu.memory_space<vmem>>, vector<16xf32>,
    %add3A_936 = arith.addf %add3A_933, %get3A_935 : vector<16xf32>
    %get3A_937 = arith.constant 2832 : index
    %get3A_938 = tpu.vector_load %arg6[%get3A_937] {strides = array<i32>} : memref<5120xf32, #tpu.memory_space<vmem>>, vector<16xf32>,
    %add3A_939 = arith.addf %add3A_936, %get3A_938 : vector<16xf32>
    %get3A_940 = arith.constant 3152 : index
    %get3A_941 = tpu.vector_load %arg6[%get3A_940] {strides = array<i32>} : memref<5120xf32, #tpu.memory_space<vmem>>, vector<16xf32>,
    %add3A_942 = arith.addf %add3A_939, %get3A_941 : vector<16xf32>
    %get3A_943 = arith.constant 3472 : index
    %get3A_944 = tpu.vector_load %arg6[%get3A_943] {strides = array<i32>} : memref<5120xf32, #tpu.memory_space<vmem>>, vector<16xf32>,
    %add3A_945 = arith.addf %add3A_942, %get3A_944 : vector<16xf32>
    %get3A_946 = arith.constant 3792 : index
    %get3A_947 = tpu.vector_load %arg6[%get3A_946] {strides = array<i32>} : memref<5120xf32, #tpu.memory_space<vmem>>, vector<16xf32>,
    %add3A_948 = arith.addf %add3A_945, %get3A_947 : vector<16xf32>
    %get3A_949 = arith.constant 4112 : index
    %get3A_950 = tpu.vector_load %arg6[%get3A_949] {strides = array<i32>} : memref<5120xf32, #tpu.memory_space<vmem>>, vector<16xf32>,
    %add3A_951 = arith.addf %add3A_948, %get3A_950 : vector<16xf32>
    %get3A_952 = arith.constant 4432 : index
    %get3A_953 = tpu.vector_load %arg6[%get3A_952] {strides = array<i32>} : memref<5120xf32, #tpu.memory_space<vmem>>, vector<16xf32>,
    %add3A_954 = arith.addf %add3A_951, %get3A_953 : vector<16xf32>
    %get3A_955 = arith.constant 4752 : index
    %get3A_956 = tpu.vector_load %arg6[%get3A_955] {strides = array<i32>} : memref<5120xf32, #tpu.memory_space<vmem>>, vector<16xf32>,
    %add3A_957 = arith.addf %add3A_954, %get3A_956 : vector<16xf32>
    %get3A_958 = arith.constant 5072 : index
    %get3A_959 = tpu.vector_load %arg6[%get3A_958] {strides = array<i32>} : memref<5120xf32, #tpu.memory_space<vmem>>, vector<16xf32>,
    %add3A_960 = arith.addf %add3A_957, %get3A_959 : vector<16xf32>
    %swap3A_961 = arith.constant 272 : index
    %swap3A_962 = tpu.vector_load %arg7[%swap3A_961] {strides = array<i32>} : memref<320xf32, #tpu.memory_space<vmem>>, vector<16xf32>,
    tpu.vector_store %arg7[%swap3A_961], %add3A_960 {strides = array<i32>} : memref<320xf32, #tpu.memory_space<vmem>>, vector<16xf32>,
    %get3A_963 = arith.constant 288 : index
    %get3A_964 = tpu.vector_load %arg6[%get3A_963] {strides = array<i32>} : memref<5120xf32, #tpu.memory_space<vmem>>, vector<16xf32>,
    %get3A_965 = arith.constant 608 : index
    %get3A_966 = tpu.vector_load %arg6[%get3A_965] {strides = array<i32>} : memref<5120xf32, #tpu.memory_space<vmem>>, vector<16xf32>,
    %add3A_967 = arith.addf %get3A_964, %get3A_966 : vector<16xf32>
    %get3A_968 = arith.constant 928 : index
    %get3A_969 = tpu.vector_load %arg6[%get3A_968] {strides = array<i32>} : memref<5120xf32, #tpu.memory_space<vmem>>, vector<16xf32>,
    %add3A_970 = arith.addf %add3A_967, %get3A_969 : vector<16xf32>
    %get3A_971 = arith.constant 1248 : index
    %get3A_972 = tpu.vector_load %arg6[%get3A_971] {strides = array<i32>} : memref<5120xf32, #tpu.memory_space<vmem>>, vector<16xf32>,
    %add3A_973 = arith.addf %add3A_970, %get3A_972 : vector<16xf32>
    %get3A_974 = arith.constant 1568 : index
    %get3A_975 = tpu.vector_load %arg6[%get3A_974] {strides = array<i32>} : memref<5120xf32, #tpu.memory_space<vmem>>, vector<16xf32>,
    %add3A_976 = arith.addf %add3A_973, %get3A_975 : vector<16xf32>
    %get3A_977 = arith.constant 1888 : index
    %get3A_978 = tpu.vector_load %arg6[%get3A_977] {strides = array<i32>} : memref<5120xf32, #tpu.memory_space<vmem>>, vector<16xf32>,
    %add3A_979 = arith.addf %add3A_976, %get3A_978 : vector<16xf32>
    %get3A_980 = arith.constant 2208 : index
    %get3A_981 = tpu.vector_load %arg6[%get3A_980] {strides = array<i32>} : memref<5120xf32, #tpu.memory_space<vmem>>, vector<16xf32>,
    %add3A_982 = arith.addf %add3A_979, %get3A_981 : vector<16xf32>
    %get3A_983 = arith.constant 2528 : index
    %get3A_984 = tpu.vector_load %arg6[%get3A_983] {strides = array<i32>} : memref<5120xf32, #tpu.memory_space<vmem>>, vector<16xf32>,
    %add3A_985 = arith.addf %add3A_982, %get3A_984 : vector<16xf32>
    %get3A_986 = arith.constant 2848 : index
    %get3A_987 = tpu.vector_load %arg6[%get3A_986] {strides = array<i32>} : memref<5120xf32, #tpu.memory_space<vmem>>, vector<16xf32>,
    %add3A_988 = arith.addf %add3A_985, %get3A_987 : vector<16xf32>
    %get3A_989 = arith.constant 3168 : index
    %get3A_990 = tpu.vector_load %arg6[%get3A_989] {strides = array<i32>} : memref<5120xf32, #tpu.memory_space<vmem>>, vector<16xf32>,
    %add3A_991 = arith.addf %add3A_988, %get3A_990 : vector<16xf32>
    %get3A_992 = arith.constant 3488 : index
    %get3A_993 = tpu.vector_load %arg6[%get3A_992] {strides = array<i32>} : memref<5120xf32, #tpu.memory_space<vmem>>, vector<16xf32>,
    %add3A_994 = arith.addf %add3A_991, %get3A_993 : vector<16xf32>
    %get3A_995 = arith.constant 3808 : index
    %get3A_996 = tpu.vector_load %arg6[%get3A_995] {strides = array<i32>} : memref<5120xf32, #tpu.memory_space<vmem>>, vector<16xf32>,
    %add3A_997 = arith.addf %add3A_994, %get3A_996 : vector<16xf32>
    %get3A_998 = arith.constant 4128 : index
    %get3A_999 = tpu.vector_load %arg6[%get3A_998] {strides = array<i32>} : memref<5120xf32, #tpu.memory_space<vmem>>, vector<16xf32>,
    %add3A_1000 = arith.addf %add3A_997, %get3A_999 : vector<16xf32>
    %get3A_1001 = arith.constant 4448 : index
    %get3A_1002 = tpu.vector_load %arg6[%get3A_1001] {strides = array<i32>} : memref<5120xf32, #tpu.memory_space<vmem>>, vector<16xf32>,
    %add3A_1003 = arith.addf %add3A_1000, %get3A_1002 : vector<16xf32>
    %get3A_1004 = arith.constant 4768 : index
    %get3A_1005 = tpu.vector_load %arg6[%get3A_1004] {strides = array<i32>} : memref<5120xf32, #tpu.memory_space<vmem>>, vector<16xf32>,
    %add3A_1006 = arith.addf %add3A_1003, %get3A_1005 : vector<16xf32>
    %get3A_1007 = arith.constant 5088 : index
    %get3A_1008 = tpu.vector_load %arg6[%get3A_1007] {strides = array<i32>} : memref<5120xf32, #tpu.memory_space<vmem>>, vector<16xf32>,
    %add3A_1009 = arith.addf %add3A_1006, %get3A_1008 : vector<16xf32>
    %swap3A_1010 = arith.constant 288 : index
    %swap3A_1011 = tpu.vector_load %arg7[%swap3A_1010] {strides = array<i32>} : memref<320xf32, #tpu.memory_space<vmem>>, vector<16xf32>,
    tpu.vector_store %arg7[%swap3A_1010], %add3A_1009 {strides = array<i32>} : memref<320xf32, #tpu.memory_space<vmem>>, vector<16xf32>,
    %get3A_1012 = arith.constant 304 : index
    %get3A_1013 = tpu.vector_load %arg6[%get3A_1012] {strides = array<i32>} : memref<5120xf32, #tpu.memory_space<vmem>>, vector<16xf32>,
    %get3A_1014 = arith.constant 624 : index
    %get3A_1015 = tpu.vector_load %arg6[%get3A_1014] {strides = array<i32>} : memref<5120xf32, #tpu.memory_space<vmem>>, vector<16xf32>,
    %add3A_1016 = arith.addf %get3A_1013, %get3A_1015 : vector<16xf32>
    %get3A_1017 = arith.constant 944 : index
    %get3A_1018 = tpu.vector_load %arg6[%get3A_1017] {strides = array<i32>} : memref<5120xf32, #tpu.memory_space<vmem>>, vector<16xf32>,
    %add3A_1019 = arith.addf %add3A_1016, %get3A_1018 : vector<16xf32>
    %get3A_1020 = arith.constant 1264 : index
    %get3A_1021 = tpu.vector_load %arg6[%get3A_1020] {strides = array<i32>} : memref<5120xf32, #tpu.memory_space<vmem>>, vector<16xf32>,
    %add3A_1022 = arith.addf %add3A_1019, %get3A_1021 : vector<16xf32>
    %get3A_1023 = arith.constant 1584 : index
    %get3A_1024 = tpu.vector_load %arg6[%get3A_1023] {strides = array<i32>} : memref<5120xf32, #tpu.memory_space<vmem>>, vector<16xf32>,
    %add3A_1025 = arith.addf %add3A_1022, %get3A_1024 : vector<16xf32>
    %get3A_1026 = arith.constant 1904 : index
    %get3A_1027 = tpu.vector_load %arg6[%get3A_1026] {strides = array<i32>} : memref<5120xf32, #tpu.memory_space<vmem>>, vector<16xf32>,
    %add3A_1028 = arith.addf %add3A_1025, %get3A_1027 : vector<16xf32>
    %get3A_1029 = arith.constant 2224 : index
    %get3A_1030 = tpu.vector_load %arg6[%get3A_1029] {strides = array<i32>} : memref<5120xf32, #tpu.memory_space<vmem>>, vector<16xf32>,
    %add3A_1031 = arith.addf %add3A_1028, %get3A_1030 : vector<16xf32>
    %get3A_1032 = arith.constant 2544 : index
    %get3A_1033 = tpu.vector_load %arg6[%get3A_1032] {strides = array<i32>} : memref<5120xf32, #tpu.memory_space<vmem>>, vector<16xf32>,
    %add3A_1034 = arith.addf %add3A_1031, %get3A_1033 : vector<16xf32>
    %get3A_1035 = arith.constant 2864 : index
    %get3A_1036 = tpu.vector_load %arg6[%get3A_1035] {strides = array<i32>} : memref<5120xf32, #tpu.memory_space<vmem>>, vector<16xf32>,
    %add3A_1037 = arith.addf %add3A_1034, %get3A_1036 : vector<16xf32>
    %get3A_1038 = arith.constant 3184 : index
    %get3A_1039 = tpu.vector_load %arg6[%get3A_1038] {strides = array<i32>} : memref<5120xf32, #tpu.memory_space<vmem>>, vector<16xf32>,
    %add3A_1040 = arith.addf %add3A_1037, %get3A_1039 : vector<16xf32>
    %get3A_1041 = arith.constant 3504 : index
    %get3A_1042 = tpu.vector_load %arg6[%get3A_1041] {strides = array<i32>} : memref<5120xf32, #tpu.memory_space<vmem>>, vector<16xf32>,
    %add3A_1043 = arith.addf %add3A_1040, %get3A_1042 : vector<16xf32>
    %get3A_1044 = arith.constant 3824 : index
    %get3A_1045 = tpu.vector_load %arg6[%get3A_1044] {strides = array<i32>} : memref<5120xf32, #tpu.memory_space<vmem>>, vector<16xf32>,
    %add3A_1046 = arith.addf %add3A_1043, %get3A_1045 : vector<16xf32>
    %get3A_1047 = arith.constant 4144 : index
    %get3A_1048 = tpu.vector_load %arg6[%get3A_1047] {strides = array<i32>} : memref<5120xf32, #tpu.memory_space<vmem>>, vector<16xf32>,
    %add3A_1049 = arith.addf %add3A_1046, %get3A_1048 : vector<16xf32>
    %get3A_1050 = arith.constant 4464 : index
    %get3A_1051 = tpu.vector_load %arg6[%get3A_1050] {strides = array<i32>} : memref<5120xf32, #tpu.memory_space<vmem>>, vector<16xf32>,
    %add3A_1052 = arith.addf %add3A_1049, %get3A_1051 : vector<16xf32>
    %get3A_1053 = arith.constant 4784 : index
    %get3A_1054 = tpu.vector_load %arg6[%get3A_1053] {strides = array<i32>} : memref<5120xf32, #tpu.memory_space<vmem>>, vector<16xf32>,
    %add3A_1055 = arith.addf %add3A_1052, %get3A_1054 : vector<16xf32>
    %get3A_1056 = arith.constant 5104 : index
    %get3A_1057 = tpu.vector_load %arg6[%get3A_1056] {strides = array<i32>} : memref<5120xf32, #tpu.memory_space<vmem>>, vector<16xf32>,
    %add3A_1058 = arith.addf %add3A_1055, %get3A_1057 : vector<16xf32>
    %swap3A_1059 = arith.constant 304 : index
    %swap3A_1060 = tpu.vector_load %arg7[%swap3A_1059] {strides = array<i32>} : memref<320xf32, #tpu.memory_space<vmem>>, vector<16xf32>,
    tpu.vector_store %arg7[%swap3A_1059], %add3A_1058 {strides = array<i32>} : memref<320xf32, #tpu.memory_space<vmem>>, vector<16xf32>,
    %mul3A_1061 = arith.constant 5120 : i32
    %mul3A_1062 = arith.muli %arg0, %mul3A_1061 : i32
    %mul3A_1063 = arith.constant 320 : i32
    %mul3A_1064 = arith.muli %arg1, %mul3A_1063 : i32
    %add3A_1065 = arith.addi %mul3A_1062, %mul3A_1064 : i32
    "tpu.region"() ({
      %run_scoped3A = tpu.sem_alloc : memref<!tpu.dma_semaphore, #tpu.memory_space<semaphore_mem>>
      %dma_start3A = tpu.memref_slice %arg3[%add3A_1065] : memref<10240xf32, #tpu.memory_space<hbm>> -> memref<320xf32, #tpu.memory_space<hbm>>
      %dma_start3A_1066 = tpu.memref_slice %arg3[%add3A_1065] : memref<10240xf32, #tpu.memory_space<hbm>> -> memref<320xf32, #tpu.memory_space<hbm>>
      tpu.enqueue_dma source(%arg7 : memref<320xf32, #tpu.memory_space<vmem>>) target(%dma_start3A_1066 : memref<320xf32, #tpu.memory_space<hbm>>) target_semaphore(%run_scoped3A : memref<!tpu.dma_semaphore, #tpu.memory_space<semaphore_mem>>)
      %dma_wait3A = tpu.memref_slice %arg3[%add3A_1065] : memref<10240xf32, #tpu.memory_space<hbm>> -> memref<320xf32, #tpu.memory_space<hbm>>
      %dma_wait3A_1067 = tpu.memref_slice %arg3[%add3A_1065] : memref<10240xf32, #tpu.memory_space<hbm>> -> memref<320xf32, #tpu.memory_space<hbm>>
      tpu.wait_dma2 semaphore(%run_scoped3A : memref<!tpu.dma_semaphore, #tpu.memory_space<semaphore_mem>>) src(%arg7 : memref<320xf32, #tpu.memory_space<vmem>>) dst(%dma_wait3A_1067 : memref<320xf32, #tpu.memory_space<hbm>>)
      tpu.yield
    }) : () -> ()
    return
  }
}

</mosaic_0001>

<sc_bundles>
// kernel: _deg_partials.3.cloned.1.call-start
scs
__scs_entry_jumppad:
0x0: {  	(pc) =	sbr.rel $0x88, $3  }
0x1: {  	(tag) =	ssettag $0x0;
	lr =	simm.s32 $0x1  }
0x2: {  	[smem:$0x3FA0] =	sst lr;
	_ =	strace $0xD0000000  }
0x3: {  	_ = 	snop  }
0x4: {  	_ = 	snop  }
0x5: {  	_ = 	snop  }
0x6: {  	_ = 	snop  }
0x7: {  	_ = 	snop  }
__scs_overlays_trampoline_lowered:
0x8: {  	[smem:$0x3FAF] =	sst s0  }
0x9: {  	[smem:$0x3FB0] =	sst s1  }
0xa: {  	[smem:$0x3FB1] =	sst s2  }
0xb: {  	[smem:$0x3FB2] =	sst s3  }
0xc: {  	[smem:$0x3FB3] =	sst s4  }
0xd: {  	[smem:$0x3FB4] =	sst s5  }
0xe: {  	[smem:$0x3FB5] =	sst s6  }
0xf: {  	[smem:$0x3FB6] =	sst s7  }
0x10: {  	[smem:$0x3FB7] =	sst s8  }
0x11: {  	[smem:$0x3FB8] =	sst s9;
	s0 =	simm.s32 @!p0 $0x0  }
0x12: {  	s1 =	sld [smem:$0x3F9E];
	s0 =	simm.s32 @p0 $0x1  }
0x13: {  	[smem:$0x3FB9] =	sst s0;
	s0 =	simm.s32 @!p1 $0x0  }
0x14: {  	s2 =	sld [smem:$0x3F9D];
	s0 =	simm.s32 @p1 $0x1  }
0x15: {  	[smem:$0x3FBA] =	sst s0;
	s0 =	simm.s32 @!p2 $0x0  }
0x16: {  	s3 =	sld [smem:$0x3FDB];
	s0 =	simm.s32 @p2 $0x1  }
0x17: {  	s4 =	simm.s32 $0x1BF5;
	[smem:$0x3FBC] =	sst s0  }
0x18: {  	s0 =	sld [smem:$0x3F9F];
	_ =	swait.ge [sflag:s4], $0x0  }
0x19: {  	s7 =	sld [smem:$0x3FA0]  }
0x1a: {  	s8 =	sadd.s32 $0xFFFFE003, lr  }
0x1b: {  	s9 =	sadd.s32 $0xFFFFFEF7, lr;
	s5 =	simm.s32 $0xFFFFFFFF;
	p2 =	slt.u32 s8, $0xFFFFF086  }
0x1c: {  	p1 =	slt.u32 s9, $0xF7A;
	s5 =	simm.s32 @!p2 $0x0  }
0x1d: {  	s5 =	simm.s32 @p1 $0x1;
	p0 =	seq.s32 s7, s2  }
0x1e: {  	s7 =	smul.u32 @!p0 $0xF7A, s2;
	p2 =	seq.s32 @!p0 s5, $0x0  }
0x1f: {  	s9 =	smul.u32 $0xF7A, s1;
	s8 =	simm.s32 @!p0 $0x1BF5;
	p2 =	por !p2, p0  }
0x20: {  	[sflag:s8] =	ssyncset.s32 @!p0 $0xFFFFF086;
	s6 =	sadd.s32 @!p0 s3, s7;
	s7 =	simm.s32 @!p0 $0x108  }
0x21: {  	s3 =	sadd.s32 s3, s9;
	s6 =	sadd.s32 @!p0 $0x88, s6;
	s7 =	simm.s32 @p2 $0x1082  }
0x22: {  	[simem:s7], [sflag:s8] =	dma.local @!p0 [hbm:s6], $0xF7A  }
0x23: {  	s9 =	sor.u32 $0xD0000000, s2;
	s6 =	simm.s32 $0x108;
	_ =	swait.ge @!p0 [sflag:s8], $0x0  }
0x24: {  	s3 =	sadd.s32 $0x88, s3;
	s6 =	simm.s32 @!p1 $0x1082;
	[sflag:s4] =	ssyncset.s32 $0xFFFFF086  }
0x25: {  	[simem:s6], [sflag:s4] =	dma.local [hbm:s3], $0xF7A  }
0x26: {  	[smem:$0x3FA0] =	sst s1;
	(tag) =	ssettag s2;
	_ =	strace s9  }
0x27: {  	s1 =	sld [smem:$0x3FB0]  }
0x28: {  	s2 =	sld [smem:$0x3FB1]  }
0x29: {  	s4 =	sld [smem:$0x3FB3]  }
0x2a: {  	p0 =	seq.s32 s5, $0x0;
	s5 =	sld [smem:$0x3FB4]  }
0x2b: {  	s6 =	sld [smem:$0x3FB5]  }
0x2c: {  	s7 =	sld [smem:$0x3FB6]  }
0x2d: {  	s3 =	simm.s32 $0x108;
	s8 =	sld [smem:$0x3FB7]  }
0x2e: {  	s3 =	simm.s32 @!p0 $0x1082;
	s9 =	sld [smem:$0x3FB8]  }
0x2f: {  	lr =	sadd.s32 s0, s3;
	s0 =	sld [smem:$0x3FAF]  }
0x30: {  	s3 =	sld [smem:$0x3FB2]  }
0x31: {  	[smem:$0x3FBB] =	sst s10  }
0x32: {  	s10 =	sld [smem:$0x3FB9];
	_ =	sdelay $0x3  }
0x33: {  	p0 =	seq.s32 s10, $0x1;
	s10 =	sld [smem:$0x3FBB];
	_ =	sdelay $0x3  }
0x34: {  	[smem:$0x3FBB] =	sst s10  }
0x35: {  	s10 =	sld [smem:$0x3FBA];
	_ =	sdelay $0x3  }
0x36: {  	p1 =	seq.s32 s10, $0x1;
	s10 =	sld [smem:$0x3FBB];
	_ =	sdelay $0x3  }
0x37: {  	[smem:$0x3FBB] =	sst s10  }
0x38: {  	s10 =	sld [smem:$0x3FBC]  }
0x39: {  	_ = 	snop;
	(pc) =	sbr.ind lr, $3  }
0x3a: {  	_ = 	snop  }
0x3b: {  	_ = 	snop  }
0x3c: {  	p2 =	seq.s32 s10, $0x1;
	s10 =	sld [smem:$0x3FBB]  }
0x3d: {  	_ =	shalt  }
0x3e: {  	_ =	shalt  }
0x3f: {  	_ =	shalt  }
0x40: {  	_ =	shalt  }
0x41: {  	_ =	shalt  }
0x42: {  	_ =	shalt  }
0x43: {  	_ =	shalt  }
0x44: {  	_ =	shalt  }
0x45: {  	_ =	shalt  }
0x46: {  	_ =	shalt  }
0x47: {  	_ =	shalt  }
0x48: {  	_ =	shalt  }
0x49: {  	_ =	shalt  }
0x4a: {  	_ =	shalt  }
0x4b: {  	_ =	shalt  }
0x4c: {  	_ =	shalt  }
0x4d: {  	_ =	shalt  }
0x4e: {  	_ =	shalt  }
0x4f: {  	_ =	shalt  }
0x50: {  	_ =	shalt  }
0x51: {  	_ =	shalt  }
0x52: {  	_ =	shalt  }
0x53: {  	_ =	shalt  }
0x54: {  	_ =	shalt  }
0x55: {  	_ =	shalt  }
0x56: {  	_ =	shalt  }
0x57: {  	_ =	shalt  }
0x58: {  	_ =	shalt  }
0x59: {  	_ =	shalt  }
0x5a: {  	_ =	shalt  }
0x5b: {  	_ =	shalt  }
0x5c: {  	_ =	shalt  }
0x5d: {  	_ =	shalt  }
0x5e: {  	_ =	shalt  }
0x5f: {  	_ =	shalt  }
0x60: {  	_ =	shalt  }
0x61: {  	_ =	shalt  }
0x62: {  	_ =	shalt  }
0x63: {  	_ =	shalt  }
0x64: {  	_ =	shalt  }
0x65: {  	_ =	shalt  }
0x66: {  	_ =	shalt  }
0x67: {  	_ =	shalt  }
0x68: {  	_ =	shalt  }
0x69: {  	_ =	shalt  }
0x6a: {  	_ =	shalt  }
0x6b: {  	_ =	shalt  }
0x6c: {  	_ =	shalt  }
0x6d: {  	_ =	shalt  }
0x6e: {  	_ =	shalt  }
0x6f: {  	_ =	shalt  }
0x70: {  	_ =	shalt  }
0x71: {  	_ =	shalt  }
0x72: {  	_ =	shalt  }
0x73: {  	_ =	shalt  }
0x74: {  	_ =	shalt  }
0x75: {  	_ =	shalt  }
0x76: {  	_ =	shalt  }
0x77: {  	_ =	shalt  }
0x78: {  	_ =	shalt  }
0x79: {  	_ =	shalt  }
0x7a: {  	_ =	shalt  }
0x7b: {  	_ =	shalt  }
0x7c: {  	_ =	shalt  }
0x7d: {  	_ =	shalt  }
0x7e: {  	_ =	shalt  }
0x7f: {  	_ =	shalt  }
0x80: {  	_ =	shalt  }
0x81: {  	_ =	shalt  }
0x82: {  	_ =	shalt  }
0x83: {  	_ =	shalt  }
0x84: {  	_ =	shalt  }
0x85: {  	_ =	shalt  }
0x86: {  	_ =	shalt  }
0x87: {  	_ =	shalt  }
.Lfunc_end0:
.L_simem_size_0:
called_computation_lowered:
.L_overlay_start_0:
0x88: {  	s2 =	sld [smem:$0x3FD9]  }
0x89: {  	s3 =	sld [smem:$0x3FFE];
	_ =	sdelay $0x1  }
0x8a: {  	s1 =	srdreg.scid  }
0x8b: {  	s0 =	sand.u32 $0x1, s1  }
0x8c: {  	s17 =	sshll.u32 s0, $0xA;
	s2 =	sadd.s32 s3, s2  }
0x8d: {  	s2 =	sadd.s32 s2, s17  }
0x8e: {  	[smem:$0x3FC7] =	sst s2  }
0x8f: {  	_ = 	snop  }
0x90: {  	s2 =	sld [smem:$0x3FC9];
	(tm) =	ssettm $0x1  }
0x91: {  	s18 =	sld [smem:$0x3FFB];
	_ =	sdelay $0x3  }
0x92: {  	_ =	strace s18  }
0x93: {  	s3 =	sld [smem:$0x3FFC];
	_ =	sdelay $0x3  }
0x94: {  	_ =	strace s3  }
0x95: {  	s3 =	sld [smem:$0x3FFD];
	_ =	sdelay $0x3  }
0x96: {  	_ =	strace s3  }
0x97: {  	_ =	strace $0x8FFFFFFF  }
0x98: {  	s19 =	sld [smem:$0x3FDB];
	_ =	sdelay $0x1  }
0x99: {  	s4 =	simm.s32 $_scs_section_size  }
0x9a: {  	s5 =	simm.s32 $_size__tile_overlayer_lowered;
	s6 =	simm.s32 $_tile_overlayer_lowered  }
0x9b: {  	s22 =	simm.s32 $0x1BFF;
	s21 =	sshll.u32 s6, $0x1;
	s3 =	sadd.s32 s4, s19  }
0x9c: {  	s7 =	simm.s32 $0x0;
	s20 =	sshll.u32 s5, $0x1;
	s5 =	sadd.s32 s21, s3  }
0x9d: {  	[timem:s7], [sflag:s22] =	dma.local [hbm:s5], s20  }
0x9e: {  	_ =	swait.ge [sflag:s22], s20  }
0x9f: {  	s4 =	ssub.s32 $0x0, s20;
	[sflag:s22] =	ssyncset.done $0x0  }
0xa0: {  	[sflag:s22] =	ssyncadd.s32 s4;
	_ =	sdelay $0x1  }
0xa1: {  	s23 =	simm.s32 $0x1B8B  }
0xa2: {  	_ =	swait.ge [sflag:s23], $0x1  }
0xa3: {  	[sflag:s23] =	ssyncset.done $0x0  }
0xa4: {  	s25 =	simm.s32 $0x1B8E;
	s24 =	sld [smem:$0x3FFE];
	[sflag:s23] =	ssyncadd.s32 $0xFFFFFFFF  }
0xa5: {  	s26 =	simm.s32 $execute0_lowered;
	[smem:$0x3FD2] =	sst s25  }
0xa6: {  	s5 =	sshll.u32 s26, $0x1;
	_ =	strace $0x80000046;
	[dreg:$0x1] =	wrdreg $0xFFFFFFFF  }
0xa7: {  	s28 =	simm.s32 $_size_execute0_lowered;
	s3 =	sadd.s32 s3, s5;
	[dreg:$0x0] =	wrdreg $0x0  }
0xa8: {  	s5 =	sshll.u32 s28, $0x1;
	[dreg:$0x2] =	wrdreg s3  }
0xa9: {  	[dreg:$0x3] =	wrdreg s5  }
0xaa: {  	[dreg:$0x4] =	wrdreg $0xC0  }
0xab: {  	_ =	task [dreg:s7], $0x5FFFF  }
0xac: {  	[dreg:$0x1] =	wrdreg $0xFFFFFFFF  }
0xad: {  	[dreg:$0x0] =	wrdreg $0x60  }
0xae: {  	[dreg:$0x2] =	wrdreg s2  }
0xaf: {  	[dreg:$0x3] =	wrdreg s24  }
0xb0: {  	[dreg:$0x4] =	wrdreg $0x3D800  }
0xb1: {  	[dreg:$0x5] =	wrdreg $0x9  }
0xb2: {  	_ =	task.clear_ibuf [dreg:s7], $0x6FFFF;
	_ =	strace $0x90000046  }
0xb3: {  	s29 =	simm.s32 $0x9;
	_ =	strace $0x80000048  }
0xb4: {  	_ =	swait.ge [sflag:s29], $0x1  }
0xb5: {  	[sflag:s29] =	ssyncadd.s32 $0xFFFFFFFF  }
0xb6: {  	_ =	strace $0x90000048  }
0xb7: {  	_ =	sfence  }
0xb8: {  	s30 =	sld [smem:$0x0];
	_ =	sdelay $0x2  }
0xb9: {  	s31 =	sshll.u32 s1, $0xD;
	s1 =	sshrl.u32 s1, $0x2  }
0xba: {  	s3 =	sand.u32 $0x4000, s31;
	s1 =	sadd.s32 s1, s30  }
0xbb: {  	s0 =	sor.u32 s3, s0;
	s1 =	sshll.u32 s1, $0x11  }
0xbc: {  	s0 =	sor.u32 s1, s0  }
0xbd: {  	s0 =	sadd.s32 $0x8F2B, s0  }
0xbe: {  	[sflag:s0] =	ssyncadd.remote.s32 $0x1  }
0xbf: {  	_ =	sfence.sel $0xFFFF  }
0xc0: {  	[dreg:$0x0] =	wrdreg $0xFFFFFFFF;
	(pc) =	sbr.abs _section_cstart, $3  }
0xc1: {  	[dreg:$0x1] =	wrdreg $0xFFFFFFFF  }
0xc2: {  	_ =	task.clear_ibuf [dreg:s7], $0x2FFFF;
	_ =	strace $0x9FFFFFFF  }
0xc3: {  	(tm) =	ssettm $0x7FFFFFFF  }
tec
execute0_lowered:
.L_overlay_start_1:
0x0: {  	(tag) =	ssettag $0x1  }
0x1: {  	s0 =	rddreg [dreg:$0x0]  }
0x2: {  	s1 =	srdreg.scid;
	s2 =	rddreg [dreg:$0x1]  }
0x3: {  	s8 =	stileid.u32;
	s5 =	rddreg [dreg:$0x2];
	s6 =	simm.s32 $0x0  }
0x4: {  	s23 =	simm.s32 $0x1;
	s28 =	simm.s32 $0x35C0;
	s29 =	simm.s32 $0x3700  }
0x5: {  	s30 =	simm.s32 $0x3840;
	s31 =	simm.s32 $0x3980;
	s3 =	smul.u32 $0x140, s8  }
0x6: {  	s1 =	sand.u32 $0x1, s1;
	[smem:$0x7FF] =	sst s6;
	s25 =	smul.u32 $0x5000, s8  }
0x7: {  	s24 =	sshll.u32 s8, $0x1;
	s4 =	smul.u32 $0x1400, s1;
	_ =	strace $0x80000047  }
0x8: {  	s7 =	ssub.s32 $0x2, s1;
	s1 =	sor.u32 s1, s24;
	s24 =	simm.s32 $0x1400  }
0x9: {  	s26 =	sshrl.u32 s7, $0x1;
	s1 =	smul.u32 $0x280, s1;
	s6 =	sshrl.u32 s25, $0x2  }
0xa: {  	s4 =	sadd.s32 s3, s4;
	s22 =	ssub.s32 s7, s26;
	s3 =	sadd.s32 s3, s5  }
0xb: {  	s5 =	sadd.s32 s6, s5;
	s4 =	sshrl.u32 s4, $0x3;
	s6 =	sadd.s32 $0x1400, s3  }
0xc: {  	s7 =	sadd.s32 $0x2800, s3;
	s8 =	sadd.s32 $0x3C00, s3;
	s9 =	sadd.s32 $0x5000, s3  }
0xd: {  	s10 =	sadd.s32 $0x6400, s3;
	s11 =	sadd.s32 $0x7800, s3;
	s12 =	sadd.s32 $0x8C00, s3  }
0xe: {  	s13 =	sadd.s32 $0xA000, s3;
	s14 =	sadd.s32 $0xB400, s3;
	s15 =	sadd.s32 $0xC800, s3  }
0xf: {  	s16 =	sadd.s32 $0xDC00, s3;
	s17 =	sadd.s32 $0xF000, s3;
	s18 =	sadd.s32 $0x10400, s3  }
0x10: {  	s19 =	sadd.s32 $0x11800, s3;
	s20 =	sadd.s32 $0x12C00, s3;
	s22 =	smax.u32 s22, $0x1  }
0x11: {  	s2 =	sadd.s32 s4, s2;
	s4 =	sadd.s32 s0, s1;
	s1 =	simm.s32 $0x3AC0  }
0x12: {  	v0 =	vimm.f32 $0.0e+00;
	v1 =	vimm.f32 $1.000000000e+00;
	s0 =	simm.s32 $0x3C00;
	s21 =	sadd.s32 $0x400, s2;
	s2 =	simm.s32 $0x0  }
.LBB2_1:
0x13: {  	s25 =	simm.s32 $0x40;
	s26 =	simm.s32 $0x0  }
.LBB2_2:
0x14: {  	p0 =	sne.s32 s25, $0x4FC0;
	[tilespmem:s26+$0x1400] =	vst v0;
	s26 =	smov.u32 s25;
	s25 =	sadd.s32 $0x40, s25  }
.Ltmp0:
0x15: {  	(pc) =	sbr.rel @p0 .LBB2_2-.Ltmp0, $2  }
0x16: {  	_ =	sdelay $0x2  }
0x17: {  	s26 =	sshra.s32 s26, $0x2  }
0x18: {  	[tilespmem:s26+$0x1400] =	vst v0;
	s25 =	simm.s32 $0x0  }
0x19: {  	[tilespmem:s25], [sflag:$0x1] =	stream.linear.gather [hbm4b:s4+s25], $0x1400, $0x38;
	[tilespmem:$0x5180] =	vst v63  }
0x1a: {  	_ =	swait.ge [sflag:s23], $0x1400  }
0x1b: {  	[sflag:s23] =	ssyncset.done $0x0  }
0x1c: {  	s26 =	simm.s32 $0x0;
	s25 =	simm.s32 $0x40;
	[sflag:s23] =	ssyncadd.s32 $0xFFFFEC00  }
.LBB2_4:
0x1d: {  	p0 =	sne.s32 s25, $0x4FC0;
	v2 =	vld [tilespmem:s26+$0x0];
	_ =	sdelay $0x3  }
.Ltmp1:
0x1e: {  	(pc) =	sbr.rel @p0 .LBB2_4-.Ltmp1, $2  }
0x1f: {  	_ =	sdelay $0x2  }
0x20: {  	s26 =	sshra.s32 s25, $0x2;
	s25 =	sadd.s32 $0x40, s25;
	[tilespmem:v2+s24+$0x0] =	vst.idx.add.f32.msk $0xffff, v1  }
0x21: {  	v2 =	vld [tilespmem:s26+$0x0];
	_ =	sdelay $0x7  }
0x22: {  	[tilespmem:v2+s24+$0x0] =	vst.idx.add.f32.msk $0xffff, v1  }
0x23: {  	[spmem:s5] =	stream.linear.scatter [tilespmem:s24], [sflag:$0x1], $0x1400, $0x38;
	[tilespmem:$0x5180] =	vst v63  }
0x24: {  	_ =	swait.ge [sflag:s23], $0x1400  }
0x25: {  	[sflag:s23] =	ssyncset.done $0x0  }
0x26: {  	[sflag:s23] =	ssyncadd.s32 $0xFFFFEC00  }
0x27: {  	s25 =	simm.s32 $0x2800;
	[bflag:$0x0] =	sbarrier.arrive $0xFFFF  }
0x28: {  	[tilespmem:s25], [sflag:$0x1] =	stream.linear.gather [spmem:s3], $0x140, $0x38;
	[tilespmem:$0x5180] =	vst v63  }
0x29: {  	_ =	swait.ge [sflag:s23], $0x140  }
0x2a: {  	[sflag:s23] =	ssyncset.done $0x0  }
0x2b: {  	s26 =	simm.s32 $0x2940;
	[sflag:s23] =	ssyncadd.s32 $0xFFFFFEC0  }
0x2c: {  	[tilespmem:s26], [sflag:$0x1] =	stream.linear.gather [spmem:s6], $0x140, $0x38;
	[tilespmem:$0x5180] =	vst v63  }
0x2d: {  	_ =	swait.ge [sflag:s23], $0x140  }
0x2e: {  	[sflag:s23] =	ssyncset.done $0x0  }
0x2f: {  	s26 =	simm.s32 $0x2A80;
	[sflag:s23] =	ssyncadd.s32 $0xFFFFFEC0  }
0x30: {  	[tilespmem:s26], [sflag:$0x1] =	stream.linear.gather [spmem:s7], $0x140, $0x38;
	[tilespmem:$0x5180] =	vst v63  }
0x31: {  	_ =	swait.ge [sflag:s23], $0x140  }
0x32: {  	[sflag:s23] =	ssyncset.done $0x0  }
0x33: {  	s26 =	simm.s32 $0x2BC0;
	[sflag:s23] =	ssyncadd.s32 $0xFFFFFEC0  }
0x34: {  	[tilespmem:s26], [sflag:$0x1] =	stream.linear.gather [spmem:s8], $0x140, $0x38;
	[tilespmem:$0x5180] =	vst v63  }
0x35: {  	_ =	swait.ge [sflag:s23], $0x140  }
0x36: {  	[sflag:s23] =	ssyncset.done $0x0  }
0x37: {  	s26 =	simm.s32 $0x2D00;
	[sflag:s23] =	ssyncadd.s32 $0xFFFFFEC0  }
0x38: {  	[tilespmem:s26], [sflag:$0x1] =	stream.linear.gather [spmem:s9], $0x140, $0x38;
	[tilespmem:$0x5180] =	vst v63  }
0x39: {  	_ =	swait.ge [sflag:s23], $0x140  }
0x3a: {  	[sflag:s23] =	ssyncset.done $0x0  }
0x3b: {  	s26 =	simm.s32 $0x2E40;
	[sflag:s23] =	ssyncadd.s32 $0xFFFFFEC0  }
0x3c: {  	[tilespmem:s26], [sflag:$0x1] =	stream.linear.gather [spmem:s10], $0x140, $0x38;
	[tilespmem:$0x5180] =	vst v63  }
0x3d: {  	_ =	swait.ge [sflag:s23], $0x140  }
0x3e: {  	[sflag:s23] =	ssyncset.done $0x0  }
0x3f: {  	s26 =	simm.s32 $0x2F80;
	[sflag:s23] =	ssyncadd.s32 $0xFFFFFEC0  }
0x40: {  	[tilespmem:s26], [sflag:$0x1] =	stream.linear.gather [spmem:s11], $0x140, $0x38;
	[tilespmem:$0x5180] =	vst v63  }
0x41: {  	_ =	swait.ge [sflag:s23], $0x140  }
0x42: {  	[sflag:s23] =	ssyncset.done $0x0  }
0x43: {  	s26 =	simm.s32 $0x30C0;
	[sflag:s23] =	ssyncadd.s32 $0xFFFFFEC0  }
0x44: {  	[tilespmem:s26], [sflag:$0x1] =	stream.linear.gather [spmem:s12], $0x140, $0x38;
	[tilespmem:$0x5180] =	vst v63  }
0x45: {  	_ =	swait.ge [sflag:s23], $0x140  }
0x46: {  	[sflag:s23] =	ssyncset.done $0x0  }
0x47: {  	s26 =	simm.s32 $0x3200;
	[sflag:s23] =	ssyncadd.s32 $0xFFFFFEC0  }
0x48: {  	[tilespmem:s26], [sflag:$0x1] =	stream.linear.gather [spmem:s13], $0x140, $0x38;
	[tilespmem:$0x5180] =	vst v63  }
0x49: {  	_ =	swait.ge [sflag:s23], $0x140  }
0x4a: {  	[sflag:s23] =	ssyncset.done $0x0  }
0x4b: {  	s26 =	simm.s32 $0x3340;
	[sflag:s23] =	ssyncadd.s32 $0xFFFFFEC0  }
0x4c: {  	[tilespmem:s26], [sflag:$0x1] =	stream.linear.gather [spmem:s14], $0x140, $0x38;
	[tilespmem:$0x5180] =	vst v63  }
0x4d: {  	_ =	swait.ge [sflag:s23], $0x140  }
0x4e: {  	[sflag:s23] =	ssyncset.done $0x0  }
0x4f: {  	s26 =	simm.s32 $0x3480;
	[sflag:s23] =	ssyncadd.s32 $0xFFFFFEC0  }
0x50: {  	[tilespmem:s26], [sflag:$0x1] =	stream.linear.gather [spmem:s15], $0x140, $0x38;
	[tilespmem:$0x5180] =	vst v63  }
0x51: {  	_ =	swait.ge [sflag:s23], $0x140  }
0x52: {  	[sflag:s23] =	ssyncset.done $0x0  }
0x53: {  	[sflag:s23] =	ssyncadd.s32 $0xFFFFFEC0  }
0x54: {  	[tilespmem:s28], [sflag:$0x1] =	stream.linear.gather [spmem:s16], $0x140, $0x38;
	[tilespmem:$0x5180] =	vst v63  }
0x55: {  	_ =	swait.ge [sflag:s23], $0x140  }
0x56: {  	[sflag:s23] =	ssyncset.done $0x0  }
0x57: {  	[sflag:s23] =	ssyncadd.s32 $0xFFFFFEC0  }
0x58: {  	[tilespmem:s29], [sflag:$0x1] =	stream.linear.gather [spmem:s17], $0x140, $0x38;
	[tilespmem:$0x5180] =	vst v63  }
0x59: {  	_ =	swait.ge [sflag:s23], $0x140  }
0x5a: {  	[sflag:s23] =	ssyncset.done $0x0  }
0x5b: {  	[sflag:s23] =	ssyncadd.s32 $0xFFFFFEC0  }
0x5c: {  	[tilespmem:s30], [sflag:$0x1] =	stream.linear.gather [spmem:s18], $0x140, $0x38;
	[tilespmem:$0x5180] =	vst v63  }
0x5d: {  	_ =	swait.ge [sflag:s23], $0x140  }
0x5e: {  	[sflag:s23] =	ssyncset.done $0x0  }
0x5f: {  	[sflag:s23] =	ssyncadd.s32 $0xFFFFFEC0  }
0x60: {  	[tilespmem:s31], [sflag:$0x1] =	stream.linear.gather [spmem:s19], $0x140, $0x38;
	[tilespmem:$0x5180] =	vst v63  }
0x61: {  	_ =	swait.ge [sflag:s23], $0x140  }
0x62: {  	[sflag:s23] =	ssyncset.done $0x0  }
0x63: {  	[sflag:s23] =	ssyncadd.s32 $0xFFFFFEC0  }
0x64: {  	[tilespmem:s1], [sflag:$0x1] =	stream.linear.gather [spmem:s20], $0x140, $0x38;
	[tilespmem:$0x5180] =	vst v63  }
0x65: {  	_ =	swait.ge [sflag:s23], $0x140  }
0x66: {  	[sflag:s23] =	ssyncset.done $0x0  }
0x67: {  	[sflag:s23] =	ssyncadd.s32 $0xFFFFFEC0  }
0x68: {  	v2 =	vld [tilespmem:$0x30C0];
	_ =	sdelay $0x4  }
0x69: {  	[tilespmem:$0x1F720] =	vst v2;
	v2 =	vld [tilespmem:$0x3200];
	_ =	sdelay $0x4  }
0x6a: {  	[tilespmem:$0x1F730] =	vst v2;
	v2 =	vld [tilespmem:$0x3340];
	_ =	sdelay $0x4  }
0x6b: {  	[tilespmem:$0x1F740] =	vst v2;
	v2 =	vld [tilespmem:$0x3480];
	_ =	sdelay $0x3  }
0x6c: {  	v29 =	vld [tilespmem:$0x2800]  }
0x6d: {  	[tilespmem:$0x1F760] =	vst v2;
	v2 =	vld [tilespmem:$0x35C0]  }
0x6e: {  	v26 =	vld [tilespmem:$0x2940]  }
0x6f: {  	v32 =	vld [tilespmem:$0x2A80]  }
0x70: {  	v39 =	vld [tilespmem:$0x2BC0]  }
0x71: {  	v47 =	vld [tilespmem:$0x2D00]  }
0x72: {  	[tilespmem:$0x1F780] =	vst v2;
	v2 =	vld [tilespmem:$0x3700]  }
0x73: {  	v54 =	vld [tilespmem:$0x2E40]  }
0x74: {  	v61 =	vld [tilespmem:$0x2F80]  }
0x75: {  	v16 =	vld [tilespmem:$0x2810]  }
0x76: {  	v14 =	vld [tilespmem:$0x2950]  }
0x77: {  	[tilespmem:$0x1F7A0] =	vst v2;
	v2 =	vld [tilespmem:$0x3840]  }
0x78: {  	v18 =	vld [tilespmem:$0x2A90]  }
0x79: {  	v20 =	vld [tilespmem:$0x2BD0]  }
0x7a: {  	v33 =	vld [tilespmem:$0x2D10]  }
0x7b: {  	v36 =	vld [tilespmem:$0x2E50]  }
0x7c: {  	[tilespmem:$0x1F7C0] =	vst v2;
	v2 =	vld [tilespmem:$0x3980]  }
0x7d: {  	v41 =	vld [tilespmem:$0x2F90]  }
0x7e: {  	v51 =	vld [tilespmem:$0x30D0]  }
0x7f: {  	v63 =	vld [tilespmem:$0x3210]  }
0x80: {  	v7 =	vld [tilespmem:$0x2820]  }
0x81: {  	[tilespmem:$0x1F7F0] =	vst v2;
	v2 =	vld [tilespmem:$0x3AC0]  }
0x82: {  	v6 =	vld [tilespmem:$0x2960]  }
0x83: {  	v9 =	vld [tilespmem:$0x2AA0]  }
0x84: {  	v11 =	vld [tilespmem:$0x2BE0]  }
0x85: {  	v17 =	vld [tilespmem:$0x2D20]  }
0x86: {  	[tilespmem:$0x1F820] =	vst v2;
	v2 =	vld [tilespmem:$0x3350]  }
0x87: {  	v42 =	vld [tilespmem:$0x2E60]  }
0x88: {  	v23 =	vld [tilespmem:$0x2FA0]  }
0x89: {  	v31 =	vld [tilespmem:$0x30E0]  }
0x8a: {  	v38 =	vld [tilespmem:$0x3220]  }
0x8b: {  	[tilespmem:$0x1F750] =	vst v2;
	v2 =	vld [tilespmem:$0x3490]  }
0x8c: {  	v46 =	vld [tilespmem:$0x3360]  }
0x8d: {  	v55 =	vld [tilespmem:$0x34A0]  }
0x8e: {  	v60 =	vld [tilespmem:$0x35E0]  }
0x8f: {  	v3 =	vld [tilespmem:$0x2830]  }
0x90: {  	[tilespmem:$0x1F770] =	vst v2;
	v2 =	vld [tilespmem:$0x35D0]  }
0x91: {  	v4 =	vld [tilespmem:$0x2AB0]  }
0x92: {  	v5 =	vld [tilespmem:$0x2BF0]  }
0x93: {  	v8 =	vld [tilespmem:$0x2D30]  }
0x94: {  	v10 =	vld [tilespmem:$0x2E70]  }
0x95: {  	[tilespmem:$0x1F790] =	vst v2;
	v2 =	vld [tilespmem:$0x3710]  }
0x96: {  	v12 =	vld [tilespmem:$0x2FB0]  }
0x97: {  	v19 =	vld [tilespmem:$0x30F0]  }
0x98: {  	v21 =	vld [tilespmem:$0x3230]  }
0x99: {  	v25 =	vld [tilespmem:$0x3370]  }
0x9a: {  	[tilespmem:$0x1F7B0] =	vst v2;
	v2 =	vld [tilespmem:$0x3850]  }
0x9b: {  	v35 =	vld [tilespmem:$0x34B0]  }
0x9c: {  	v43 =	vld [tilespmem:$0x35F0]  }
0x9d: {  	v50 =	vld [tilespmem:$0x3730]  }
0x9e: {  	v57 =	vld [tilespmem:$0x3870]  }
0x9f: {  	[tilespmem:$0x1F7E0] =	vst v2;
	v2 =	vld [tilespmem:$0x3990]  }
0xa0: {  	v13 =	vld [tilespmem:$0x39B0]  }
0xa1: {  	v22 =	vld [tilespmem:$0x3AF0]  }
0xa2: {  	v24 =	vld [tilespmem:$0x2840]  }
0xa3: {  	v27 =	vld [tilespmem:$0x2980]  }
0xa4: {  	[tilespmem:$0x1F810] =	vst v2;
	v2 =	vld [tilespmem:$0x3AD0]  }
0xa5: {  	v28 =	vld [tilespmem:$0x2AC0];
	[tilespmem:$0x1F850] =	vst v13  }
0xa6: {  	v30 =	vld [tilespmem:$0x2C00];
	[tilespmem:$0x1F890] =	vst v22  }
0xa7: {  	v34 =	vld [tilespmem:$0x2D40];
	[tilespmem:$0x1F870] =	vst v24  }
0xa8: {  	v37 =	vld [tilespmem:$0x2E80];
	[tilespmem:$0x1F880] =	vst v27  }
0xa9: {  	[tilespmem:$0x1F840] =	vst v2;
	v2 =	vld [tilespmem:$0x3720]  }
0xaa: {  	v40 =	vld [tilespmem:$0x2FC0];
	[tilespmem:$0x1F8A0] =	vst v28  }
0xab: {  	v44 =	vld [tilespmem:$0x3100];
	[tilespmem:$0x1F8B0] =	vst v30  }
0xac: {  	v45 =	vld [tilespmem:$0x3240];
	[tilespmem:$0x1F8C0] =	vst v34  }
0xad: {  	v48 =	vld [tilespmem:$0x3380];
	[tilespmem:$0x1F8E0] =	vst v37  }
0xae: {  	[tilespmem:$0x1F7D0] =	vst v2;
	v2 =	vld [tilespmem:$0x3860]  }
0xaf: {  	v49 =	vld [tilespmem:$0x34C0];
	[tilespmem:$0x1F900] =	vst v40  }
0xb0: {  	v52 =	vld [tilespmem:$0x3600];
	[tilespmem:$0x1F920] =	vst v44  }
0xb1: {  	v53 =	vld [tilespmem:$0x3740];
	[tilespmem:$0x1F950] =	vst v45  }
0xb2: {  	v56 =	vld [tilespmem:$0x3880];
	[tilespmem:$0x1F980] =	vst v48  }
0xb3: {  	[tilespmem:$0x1F800] =	vst v2;
	v2 =	vld [tilespmem:$0x39A0]  }
0xb4: {  	v58 =	vld [tilespmem:$0x39C0];
	[tilespmem:$0x1F9B0] =	vst v49  }
0xb5: {  	v59 =	vld [tilespmem:$0x3B00];
	[tilespmem:$0x1F9F0] =	vst v52  }
0xb6: {  	v62 =	vld [tilespmem:$0x2D50];
	[tilespmem:$0x1FA30] =	vst v53  }
0xb7: {  	[tilespmem:$0x1FA70] =	vst v56;
	v22 =	vld [tilespmem:$0x2E90]  }
0xb8: {  	[tilespmem:$0x1F830] =	vst v2;
	v2 =	vld [tilespmem:$0x3AE0]  }
0xb9: {  	[tilespmem:$0x1FAB0] =	vst v58;
	v24 =	vld [tilespmem:$0x2FD0]  }
0xba: {  	[tilespmem:$0x1FAF0] =	vst v59;
	v48 =	vld [tilespmem:$0x2850]  }
0xbb: {  	v44 =	vld [tilespmem:$0x2990];
	[tilespmem:$0x1F8D0] =	vst v62  }
0xbc: {  	v52 =	vld [tilespmem:$0x2AD0];
	[tilespmem:$0x1F8F0] =	vst v22  }
0xbd: {  	v58 =	vld [tilespmem:$0x2C10];
	[tilespmem:$0x1F860] =	vst v2  }
0xbe: {  	v2 =	vld [tilespmem:$0x2970];
	[tilespmem:$0x1F910] =	vst v24  }
0xbf: {  	v62 =	vld [tilespmem:$0x3260];
	_ =	sdelay $0x4  }
0xc0: {  	[tilespmem:$0x1F990] =	vst v62;
	v62 =	vld [tilespmem:$0x33B0];
	_ =	sdelay $0x4  }
0xc1: {  	[tilespmem:$0x1F9E0] =	vst v62;
	v62 =	vld [tilespmem:$0x34F0];
	_ =	sdelay $0x4  }
0xc2: {  	[tilespmem:$0x1FA20] =	vst v62;
	v62 =	vld [tilespmem:$0x3630];
	_ =	sdelay $0x4  }
0xc3: {  	[tilespmem:$0x1FA60] =	vst v62;
	v62 =	vld [tilespmem:$0x3770];
	_ =	sdelay $0x4  }
0xc4: {  	[tilespmem:$0x1FAA0] =	vst v62;
	v62 =	vld [tilespmem:$0x38B0];
	_ =	sdelay $0x4  }
0xc5: {  	[tilespmem:$0x1FAE0] =	vst v62;
	v62 =	vld [tilespmem:$0x39F0];
	_ =	sdelay $0x4  }
0xc6: {  	[tilespmem:$0x1FB20] =	vst v62;
	v62 =	vld [tilespmem:$0x3B30];
	_ =	sdelay $0x4  }
0xc7: {  	[tilespmem:$0x1FB60] =	vst v62;
	v62 =	vld [tilespmem:$0x2880];
	_ =	sdelay $0x4  }
0xc8: {  	[tilespmem:$0x1FB40] =	vst v62;
	v62 =	vld [tilespmem:$0x29C0];
	_ =	sdelay $0x4  }
0xc9: {  	[tilespmem:$0x1FB50] =	vst v62;
	v62 =	vld [tilespmem:$0x2B00];
	_ =	sdelay $0x4  }
0xca: {  	[tilespmem:$0x1FB90] =	vst v62;
	v62 =	vld [tilespmem:$0x2C40];
	_ =	sdelay $0x4  }
0xcb: {  	[tilespmem:$0x1FBD0] =	vst v62;
	v62 =	vld [tilespmem:$0x2D80];
	_ =	sdelay $0x4  }
0xcc: {  	[tilespmem:$0x1FC00] =	vst v62;
	v62 =	vld [tilespmem:$0x2EC0];
	_ =	sdelay $0x4  }
0xcd: {  	[tilespmem:$0x1FC30] =	vst v62;
	v62 =	vld [tilespmem:$0x3000];
	_ =	sdelay $0x4  }
0xce: {  	[tilespmem:$0x1FC60] =	vst v62;
	v62 =	vld [tilespmem:$0x3140];
	_ =	sdelay $0x4  }
0xcf: {  	[tilespmem:$0x1FC90] =	vst v62;
	v62 =	vld [tilespmem:$0x3280];
	_ =	sdelay $0x4  }
0xd0: {  	[tilespmem:$0x1FCC0] =	vst v62;
	v62 =	vld [tilespmem:$0x33C0];
	_ =	sdelay $0x4  }
0xd1: {  	[tilespmem:$0x1FCF0] =	vst v62;
	v62 =	vld [tilespmem:$0x3500];
	_ =	sdelay $0x4  }
0xd2: {  	[tilespmem:$0x1FD20] =	vst v62;
	v62 =	vld [tilespmem:$0x3640];
	_ =	sdelay $0x4  }
0xd3: {  	[tilespmem:$0x1FD50] =	vst v62;
	v62 =	vld [tilespmem:$0x3780];
	_ =	sdelay $0x4  }
0xd4: {  	[tilespmem:$0x1FD80] =	vst v62;
	v62 =	vld [tilespmem:$0x38C0];
	_ =	sdelay $0x4  }
0xd5: {  	[tilespmem:$0x1FDC0] =	vst v62;
	v62 =	vld [tilespmem:$0x3A00];
	_ =	sdelay $0x4  }
0xd6: {  	[tilespmem:$0x1FDF0] =	vst v62;
	v62 =	vld [tilespmem:$0x3B40];
	_ =	sdelay $0x4  }
0xd7: {  	[tilespmem:$0x1FE20] =	vst v62;
	v62 =	vld [tilespmem:$0x2890];
	_ =	sdelay $0x4  }
0xd8: {  	[tilespmem:$0x1FB70] =	vst v62;
	v62 =	vld [tilespmem:$0x29D0];
	_ =	sdelay $0x4  }
0xd9: {  	[tilespmem:$0x1FB80] =	vst v62;
	v62 =	vld [tilespmem:$0x2B10];
	_ =	sdelay $0x4  }
0xda: {  	[tilespmem:$0x1FBC0] =	vst v62;
	v62 =	vld [tilespmem:$0x2C50];
	_ =	sdelay $0x4  }
0xdb: {  	[tilespmem:$0x1FBF0] =	vst v62;
	v62 =	vld [tilespmem:$0x2D90];
	_ =	sdelay $0x4  }
0xdc: {  	[tilespmem:$0x1FC20] =	vst v62;
	v62 =	vld [tilespmem:$0x2ED0];
	_ =	sdelay $0x4  }
0xdd: {  	[tilespmem:$0x1FC50] =	vst v62;
	v62 =	vld [tilespmem:$0x3010];
	_ =	sdelay $0x4  }
0xde: {  	[tilespmem:$0x1FC80] =	vst v62;
	v62 =	vld [tilespmem:$0x3150];
	_ =	sdelay $0x4  }
0xdf: {  	[tilespmem:$0x1FCB0] =	vst v62;
	v62 =	vld [tilespmem:$0x3290];
	_ =	sdelay $0x4  }
0xe0: {  	[tilespmem:$0x1FCE0] =	vst v62;
	v62 =	vld [tilespmem:$0x33D0];
	_ =	sdelay $0x4  }
0xe1: {  	[tilespmem:$0x1FD10] =	vst v62;
	v62 =	vld [tilespmem:$0x3510];
	_ =	sdelay $0x4  }
0xe2: {  	[tilespmem:$0x1FD40] =	vst v62;
	v62 =	vld [tilespmem:$0x3650];
	_ =	sdelay $0x4  }
0xe3: {  	[tilespmem:$0x1FD70] =	vst v62;
	v62 =	vld [tilespmem:$0x3790];
	_ =	sdelay $0x4  }
0xe4: {  	[tilespmem:$0x1FDA0] =	vst v62;
	v62 =	vld [tilespmem:$0x38D0];
	_ =	sdelay $0x4  }
0xe5: {  	[tilespmem:$0x1FDE0] =	vst v62;
	v62 =	vld [tilespmem:$0x3A10];
	_ =	sdelay $0x4  }
0xe6: {  	[tilespmem:$0x1FE10] =	vst v62;
	v62 =	vld [tilespmem:$0x3B50];
	_ =	sdelay $0x4  }
0xe7: {  	[tilespmem:$0x1FE40] =	vst v62;
	v62 =	vld [tilespmem:$0x28A0];
	_ =	sdelay $0x4  }
0xe8: {  	[tilespmem:$0x1FBA0] =	vst v62;
	v62 =	vld [tilespmem:$0x29E0];
	_ =	sdelay $0x4  }
0xe9: {  	[tilespmem:$0x1FBB0] =	vst v62;
	v62 =	vld [tilespmem:$0x2B20];
	_ =	sdelay $0x4  }
0xea: {  	[tilespmem:$0x1FBE0] =	vst v62;
	v62 =	vld [tilespmem:$0x2C60];
	_ =	sdelay $0x4  }
0xeb: {  	[tilespmem:$0x1FC10] =	vst v62;
	v62 =	vld [tilespmem:$0x2DA0];
	_ =	sdelay $0x4  }
0xec: {  	[tilespmem:$0x1FC40] =	vst v62;
	v62 =	vld [tilespmem:$0x2EE0];
	_ =	sdelay $0x4  }
0xed: {  	[tilespmem:$0x1FC70] =	vst v62;
	v62 =	vld [tilespmem:$0x3020];
	_ =	sdelay $0x4  }
0xee: {  	[tilespmem:$0x1FCA0] =	vst v62;
	v62 =	vld [tilespmem:$0x3160];
	_ =	sdelay $0x4  }
0xef: {  	[tilespmem:$0x1FCD0] =	vst v62;
	v62 =	vld [tilespmem:$0x32A0];
	_ =	sdelay $0x4  }
0xf0: {  	[tilespmem:$0x1FD00] =	vst v62;
	v62 =	vld [tilespmem:$0x33E0];
	_ =	sdelay $0x4  }
0xf1: {  	[tilespmem:$0x1FD30] =	vst v62;
	v62 =	vld [tilespmem:$0x3520];
	_ =	sdelay $0x4  }
0xf2: {  	[tilespmem:$0x1FD60] =	vst v62;
	v62 =	vld [tilespmem:$0x3660];
	_ =	sdelay $0x4  }
0xf3: {  	[tilespmem:$0x1FD90] =	vst v62;
	v62 =	vld [tilespmem:$0x37A0];
	_ =	sdelay $0x2  }
0xf4: {  	v2 =	vadd.f32 v2, v3  }
0xf5: {  	v26 =	vadd.f32 v26, v29  }
0xf6: {  	v2 =	vadd.f32 v4, v2;
	[tilespmem:$0x1FDD0] =	vst v62;
	v62 =	vld [tilespmem:$0x38E0]  }
0xf7: {  	v32 =	vadd.f32 v32, v26  }
0xf8: {  	v2 =	vadd.f32 v5, v2  }
0xf9: {  	v14 =	vadd.f32 v14, v16;
	v16 =	vadd.f32 v39, v32  }
0xfa: {  	v2 =	vadd.f32 v8, v2  }
0xfb: {  	[tilespmem:$0x1FE00] =	vst v62;
	v62 =	vadd.f32 v47, v16  }
0xfc: {  	v10 =	vadd.f32 v10, v2;
	v2 =	vld [tilespmem:$0x1F720]  }
0xfd: {  	v4 =	vadd.f32 v54, v62;
	_ =	sdelay $0x1  }
0xfe: {  	v4 =	vadd.f32 v61, v4;
	_ =	sdelay $0x1  }
0xff: {  	v4 =	vadd.f32 v2, v4;
	v2 =	vld [tilespmem:$0x1F730];
	_ =	sdelay $0x4  }
0x100: {  	v4 =	vadd.f32 v2, v4;
	v2 =	vld [tilespmem:$0x3670]  }
0x101: {  	v14 =	vadd.f32 v18, v14;
	_ =	sdelay $0x1  }
0x102: {  	v7 =	vadd.f32 v6, v7;
	v14 =	vadd.f32 v20, v14;
	_ =	sdelay $0x1  }
0x103: {  	v7 =	vadd.f32 v9, v7;
	v16 =	vadd.f32 v33, v14;
	[tilespmem:$0x1FDB0] =	vst v2;
	v2 =	vld [tilespmem:$0x1F740];
	_ =	sdelay $0x1  }
0x104: {  	v7 =	vadd.f32 v11, v7;
	v18 =	vadd.f32 v36, v16;
	_ =	sdelay $0x1  }
0x105: {  	v17 =	vadd.f32 v17, v7;
	v7 =	vadd.f32 v41, v18  }
0x106: {  	v4 =	vadd.f32 v2, v4;
	v2 =	vld [tilespmem:$0x1F750]  }
0x107: {  	v36 =	vadd.f32 v51, v7;
	_ =	sdelay $0x1  }
0x108: {  	v11 =	vadd.f32 v63, v36;
	_ =	sdelay $0x1  }
0x109: {  	v11 =	vadd.f32 v2, v11;
	v2 =	vld [tilespmem:$0x3A30];
	_ =	sdelay $0x4  }
0x10a: {  	[tilespmem:$0x1FE50] =	vst v2;
	v2 =	vld [tilespmem:$0x1F760];
	_ =	sdelay $0x3  }
0x10b: {  	v29 =	vld [tilespmem:$0x3A20]  }
0x10c: {  	v4 =	vadd.f32 v2, v4;
	v2 =	vld [tilespmem:$0x3B70];
	_ =	sdelay $0x3  }
0x10d: {  	[tilespmem:$0x1FE30] =	vst v29;
	v29 =	vadd.f32 v42, v17  }
0x10e: {  	[tilespmem:$0x1FE80] =	vst v2;
	v2 =	vld [tilespmem:$0x1F770]  }
0x10f: {  	v8 =	vadd.f32 v23, v29;
	_ =	sdelay $0x1  }
0x110: {  	v8 =	vadd.f32 v31, v8;
	_ =	sdelay $0x1  }
0x111: {  	v8 =	vadd.f32 v38, v8;
	v38 =	vadd.f32 v2, v11;
	v2 =	vld [tilespmem:$0x28C0];
	_ =	sdelay $0x4  }
0x112: {  	[tilespmem:$0x1FE60] =	vst v2;
	v2 =	vld [tilespmem:$0x1F780];
	_ =	sdelay $0x4  }
0x113: {  	v4 =	vadd.f32 v2, v4;
	v2 =	vld [tilespmem:$0x2A00];
	_ =	sdelay $0x4  }
0x114: {  	[tilespmem:$0x1FE70] =	vst v2;
	v2 =	vld [tilespmem:$0x1F790];
	_ =	sdelay $0x4  }
0x115: {  	v16 =	vadd.f32 v2, v38;
	v2 =	vld [tilespmem:$0x2B40];
	_ =	sdelay $0x4  }
0x116: {  	[tilespmem:$0x1FE90] =	vst v2;
	v2 =	vld [tilespmem:$0x1F7A0];
	_ =	sdelay $0x4  }
0x117: {  	v4 =	vadd.f32 v2, v4;
	v2 =	vld [tilespmem:$0x2C80];
	_ =	sdelay $0x4  }
0x118: {  	[tilespmem:$0x1FEA0] =	vst v2;
	v2 =	vld [tilespmem:$0x1F7B0];
	_ =	sdelay $0x4  }
0x119: {  	v16 =	vadd.f32 v2, v16;
	v2 =	vld [tilespmem:$0x2DC0];
	_ =	sdelay $0x4  }
0x11a: {  	[tilespmem:$0x1FEB0] =	vst v2;
	v2 =	vld [tilespmem:$0x1F7C0];
	_ =	sdelay $0x3  }
0x11b: {  	v8 =	vadd.f32 v46, v8  }
0x11c: {  	v4 =	vadd.f32 v2, v4;
	v2 =	vld [tilespmem:$0x1F7D0]  }
0x11d: {  	v8 =	vadd.f32 v55, v8;
	_ =	sdelay $0x1  }
0x11e: {  	v39 =	vadd.f32 v60, v8;
	_ =	sdelay $0x1  }
0x11f: {  	v17 =	vadd.f32 v2, v39;
	v2 =	vld [tilespmem:$0x2F00];
	_ =	sdelay $0x4  }
0x120: {  	[tilespmem:$0x1FEC0] =	vst v2;
	v2 =	vld [tilespmem:$0x1F7E0];
	_ =	sdelay $0x4  }
0x121: {  	v16 =	vadd.f32 v2, v16;
	v2 =	vld [tilespmem:$0x3040];
	_ =	sdelay $0x4  }
0x122: {  	v10 =	vadd.f32 v12, v10;
	[tilespmem:$0x1FED0] =	vst v2;
	v2 =	vld [tilespmem:$0x1F7F0];
	_ =	sdelay $0x1  }
0x123: {  	v10 =	vadd.f32 v19, v10;
	_ =	sdelay $0x1  }
0x124: {  	v10 =	vadd.f32 v21, v10  }
0x125: {  	v4 =	vadd.f32 v2, v4;
	v2 =	vld [tilespmem:$0x1F800]  }
0x126: {  	v10 =	vadd.f32 v25, v10;
	_ =	sdelay $0x1  }
0x127: {  	v10 =	vadd.f32 v35, v10;
	_ =	sdelay $0x1  }
0x128: {  	v10 =	vadd.f32 v43, v10;
	v43 =	vadd.f32 v2, v17;
	v2 =	vld [tilespmem:$0x3180];
	_ =	sdelay $0x4  }
0x129: {  	[tilespmem:$0x1FEE0] =	vst v2;
	v2 =	vld [tilespmem:$0x1F810];
	_ =	sdelay $0x4  }
0x12a: {  	v16 =	vadd.f32 v2, v16;
	v2 =	vld [tilespmem:$0x32C0];
	_ =	sdelay $0x4  }
0x12b: {  	[tilespmem:$0x1FEF0] =	vst v2;
	v2 =	vld [tilespmem:$0x1F820];
	_ =	sdelay $0x4  }
0x12c: {  	v2 =	vadd.f32 v2, v4;
	_ =	sdelay $0x1  }
0x12d: {  	[tilespmem:$0x1FF80] =	vst v2;
	v2 =	vld [tilespmem:$0x1F830];
	_ =	sdelay $0x4  }
0x12e: {  	v46 =	vadd.f32 v2, v43;
	v2 =	vld [tilespmem:$0x3400];
	_ =	sdelay $0x4  }
0x12f: {  	[tilespmem:$0x1FF00] =	vst v2;
	v2 =	vld [tilespmem:$0x1F840];
	_ =	sdelay $0x4  }
0x130: {  	v2 =	vadd.f32 v2, v16;
	_ =	sdelay $0x1  }
0x131: {  	[tilespmem:$0x1FF90] =	vst v2;
	v2 =	vld [tilespmem:$0x1F850]  }
0x132: {  	v10 =	vadd.f32 v50, v10;
	_ =	sdelay $0x1  }
0x133: {  	v10 =	vadd.f32 v57, v10;
	_ =	sdelay $0x1  }
0x134: {  	v10 =	vadd.f32 v2, v10;
	v2 =	vld [tilespmem:$0x3540];
	_ =	sdelay $0x4  }
0x135: {  	[tilespmem:$0x1FF10] =	vst v2;
	v2 =	vld [tilespmem:$0x1F860];
	_ =	sdelay $0x4  }
0x136: {  	v2 =	vadd.f32 v2, v46  }
0x137: {  	v47 =	vld [tilespmem:$0x1F880]  }
0x138: {  	[tilespmem:$0x1FFA0] =	vst v2;
	v2 =	vld [tilespmem:$0x1F870];
	_ =	sdelay $0x4  }
0x139: {  	v4 =	vadd.f32 v47, v2;
	v2 =	vld [tilespmem:$0x3680];
	_ =	sdelay $0x4  }
0x13a: {  	[tilespmem:$0x1FF20] =	vst v2;
	v2 =	vld [tilespmem:$0x1F890];
	_ =	sdelay $0x4  }
0x13b: {  	v2 =	vadd.f32 v2, v10;
	_ =	sdelay $0x1  }
0x13c: {  	[tilespmem:$0x1FFB0] =	vst v2;
	v2 =	vld [tilespmem:$0x37C0];
	_ =	sdelay $0x4  }
0x13d: {  	[tilespmem:$0x1FF30] =	vst v2;
	v2 =	vld [tilespmem:$0x1F8A0];
	_ =	sdelay $0x4  }
0x13e: {  	v4 =	vadd.f32 v2, v4;
	v2 =	vld [tilespmem:$0x3900];
	_ =	sdelay $0x4  }
0x13f: {  	[tilespmem:$0x1FF40] =	vst v2;
	v2 =	vld [tilespmem:$0x3A40];
	_ =	sdelay $0x4  }
0x140: {  	[tilespmem:$0x1FF50] =	vst v2;
	v2 =	vld [tilespmem:$0x1F8B0];
	_ =	sdelay $0x4  }
0x141: {  	v4 =	vadd.f32 v2, v4;
	v2 =	vld [tilespmem:$0x3B80];
	_ =	sdelay $0x4  }
0x142: {  	[tilespmem:$0x1FF60] =	vst v2;
	v2 =	vld [tilespmem:$0x1F8C0];
	_ =	sdelay $0x3  }
0x143: {  	v50 =	vadd.f32 v44, v48  }
0x144: {  	v4 =	vadd.f32 v2, v4;
	v2 =	vld [tilespmem:$0x1F8D0]  }
0x145: {  	v10 =	vadd.f32 v52, v50;
	_ =	sdelay $0x1  }
0x146: {  	v10 =	vadd.f32 v58, v10;
	_ =	sdelay $0x1  }
0x147: {  	v10 =	vadd.f32 v2, v10;
	v2 =	vld [tilespmem:$0x1F8E0];
	_ =	sdelay $0x4  }
0x148: {  	v4 =	vadd.f32 v2, v4;
	v2 =	vld [tilespmem:$0x1F8F0]  }
0x149: {  	v13 =	vld [tilespmem:$0x3110]  }
0x14a: {  	v28 =	vld [tilespmem:$0x3390]  }
0x14b: {  	v34 =	vld [tilespmem:$0x3610]  }
0x14c: {  	v40 =	vld [tilespmem:$0x3890]  }
0x14d: {  	v55 =	vadd.f32 v2, v10;
	v2 =	vld [tilespmem:$0x1F900]  }
0x14e: {  	v49 =	vld [tilespmem:$0x3B10]  }
0x14f: {  	v24 =	vld [tilespmem:$0x29A0]  }
0x150: {  	v53 =	vld [tilespmem:$0x2FE0]  }
0x151: {  	[tilespmem:$0x1F9A0] =	vst v28;
	v28 =	vld [tilespmem:$0x2860]  }
0x152: {  	v4 =	vadd.f32 v2, v4;
	v2 =	vld [tilespmem:$0x1F910]  }
0x153: {  	v15 =	vld [tilespmem:$0x2870]  }
0x154: {  	[tilespmem:$0x1FA10] =	vst v34;
	v34 =	vld [tilespmem:$0x2AE0]  }
0x155: {  	[tilespmem:$0x1FA90] =	vst v40;
	v40 =	vld [tilespmem:$0x2C20]  }
0x156: {  	[tilespmem:$0x1F940] =	vst v13;
	v13 =	vld [tilespmem:$0x29B0]  }
0x157: {  	v51 =	vadd.f32 v24, v28;
	v16 =	vadd.f32 v2, v55;
	v2 =	vld [tilespmem:$0x1F920]  }
0x158: {  	[tilespmem:$0x1FB10] =	vst v49;
	v49 =	vld [tilespmem:$0x2D60]  }
0x159: {  	v52 =	vadd.f32 v34, v51  }
0x15a: {  	v56 =	vld [tilespmem:$0x2EA0]  }
0x15b: {  	[tilespmem:$0x1F930] =	vst v53;
	v13 =	vadd.f32 v13, v15;
	v15 =	vadd.f32 v40, v52  }
0x15c: {  	v4 =	vadd.f32 v2, v4;
	v2 =	vld [tilespmem:$0x1F930]  }
0x15d: {  	v15 =	vadd.f32 v49, v15;
	_ =	sdelay $0x1  }
0x15e: {  	v15 =	vadd.f32 v56, v15;
	_ =	sdelay $0x1  }
0x15f: {  	v15 =	vadd.f32 v2, v15;
	v2 =	vld [tilespmem:$0x1F940];
	_ =	sdelay $0x3  }
0x160: {  	v59 =	vld [tilespmem:$0x3120]  }
0x161: {  	v16 =	vadd.f32 v2, v16;
	v2 =	vld [tilespmem:$0x1F950];
	_ =	sdelay $0x3  }
0x162: {  	v27 =	vld [tilespmem:$0x3250];
	[tilespmem:$0x1F960] =	vst v59  }
0x163: {  	v4 =	vadd.f32 v2, v4;
	v2 =	vld [tilespmem:$0x1F960];
	_ =	sdelay $0x3  }
0x164: {  	[tilespmem:$0x1F970] =	vst v27  }
0x165: {  	v15 =	vadd.f32 v2, v15;
	v2 =	vld [tilespmem:$0x1F970];
	_ =	sdelay $0x4  }
0x166: {  	v16 =	vadd.f32 v2, v16;
	v2 =	vld [tilespmem:$0x1F980];
	_ =	sdelay $0x4  }
0x167: {  	v4 =	vadd.f32 v2, v4;
	v2 =	vld [tilespmem:$0x1F990];
	_ =	sdelay $0x1  }
0x168: {  	v30 =	vld [tilespmem:$0x34D0]  }
0x169: {  	v37 =	vld [tilespmem:$0x3750]  }
0x16a: {  	v45 =	vld [tilespmem:$0x39D0]  }
0x16b: {  	v57 =	vadd.f32 v2, v15;
	v2 =	vld [tilespmem:$0x1F9A0]  }
0x16c: {  	v27 =	vld [tilespmem:$0x34E0]  }
0x16d: {  	v22 =	vld [tilespmem:$0x33A0]  }
0x16e: {  	[tilespmem:$0x1F9D0] =	vst v30;
	v30 =	vld [tilespmem:$0x3620]  }
0x16f: {  	[tilespmem:$0x1FA50] =	vst v37;
	v37 =	vld [tilespmem:$0x3760]  }
0x170: {  	v16 =	vadd.f32 v2, v16;
	v2 =	vld [tilespmem:$0x1F9B0]  }
0x171: {  	[tilespmem:$0x1FA00] =	vst v27;
	v27 =	vld [tilespmem:$0x2AF0]  }
0x172: {  	[tilespmem:$0x1FAD0] =	vst v45;
	v45 =	vld [tilespmem:$0x38A0]  }
0x173: {  	[tilespmem:$0x1F9C0] =	vst v22;
	v22 =	vld [tilespmem:$0x2C30]  }
0x174: {  	[tilespmem:$0x1FA40] =	vst v30;
	v30 =	vld [tilespmem:$0x2D70]  }
0x175: {  	v4 =	vadd.f32 v2, v4;
	v2 =	vld [tilespmem:$0x1F9C0]  }
0x176: {  	v53 =	vld [tilespmem:$0x39E0];
	v13 =	vadd.f32 v27, v13  }
0x177: {  	[tilespmem:$0x1FA80] =	vst v37;
	v37 =	vld [tilespmem:$0x2EB0]  }
0x178: {  	v59 =	vld [tilespmem:$0x3B20];
	v13 =	vadd.f32 v22, v13  }
0x179: {  	[tilespmem:$0x1FAC0] =	vst v45;
	v45 =	vld [tilespmem:$0x2FF0]  }
0x17a: {  	v13 =	vadd.f32 v30, v13;
	v19 =	vadd.f32 v2, v57;
	v2 =	vld [tilespmem:$0x1F9D0]  }
0x17b: {  	[tilespmem:$0x1FB00] =	vst v53;
	v53 =	vld [tilespmem:$0x3130]  }
0x17c: {  	v13 =	vadd.f32 v37, v13  }
0x17d: {  	[tilespmem:$0x1FB30] =	vst v59;
	v59 =	vld [tilespmem:$0x3270]  }
0x17e: {  	v13 =	vadd.f32 v45, v13  }
0x17f: {  	v16 =	vadd.f32 v2, v16;
	v2 =	vld [tilespmem:$0x1F9E0]  }
0x180: {  	v13 =	vadd.f32 v53, v13;
	_ =	sdelay $0x1  }
0x181: {  	v13 =	vadd.f32 v59, v13;
	_ =	sdelay $0x1  }
0x182: {  	v13 =	vadd.f32 v2, v13;
	v2 =	vld [tilespmem:$0x1F9F0];
	_ =	sdelay $0x4  }
0x183: {  	v4 =	vadd.f32 v2, v4;
	v2 =	vld [tilespmem:$0x1FA00];
	_ =	sdelay $0x4  }
0x184: {  	v19 =	vadd.f32 v2, v19;
	v2 =	vld [tilespmem:$0x3B90];
	_ =	sdelay $0x4  }
0x185: {  	[tilespmem:$0x1FF70] =	vst v2;
	v2 =	vld [tilespmem:$0x1FA10];
	_ =	sdelay $0x4  }
0x186: {  	v16 =	vadd.f32 v2, v16;
	v2 =	vld [tilespmem:$0x1FA20];
	_ =	sdelay $0x4  }
0x187: {  	v13 =	vadd.f32 v2, v13;
	v2 =	vld [tilespmem:$0x1FA30];
	_ =	sdelay $0x4  }
0x188: {  	v4 =	vadd.f32 v2, v4;
	v2 =	vld [tilespmem:$0x1FA40];
	_ =	sdelay $0x4  }
0x189: {  	v19 =	vadd.f32 v2, v19;
	v2 =	vld [tilespmem:$0x1FA50];
	_ =	sdelay $0x4  }
0x18a: {  	v16 =	vadd.f32 v2, v16;
	v2 =	vld [tilespmem:$0x1FA60];
	_ =	sdelay $0x4  }
0x18b: {  	v13 =	vadd.f32 v2, v13;
	v2 =	vld [tilespmem:$0x1FA70];
	_ =	sdelay $0x4  }
0x18c: {  	v4 =	vadd.f32 v2, v4;
	v2 =	vld [tilespmem:$0x1FA80];
	_ =	sdelay $0x4  }
0x18d: {  	v19 =	vadd.f32 v2, v19;
	v2 =	vld [tilespmem:$0x1FA90];
	_ =	sdelay $0x4  }
0x18e: {  	v16 =	vadd.f32 v2, v16;
	v2 =	vld [tilespmem:$0x1FAA0];
	_ =	sdelay $0x4  }
0x18f: {  	v13 =	vadd.f32 v2, v13;
	v2 =	vld [tilespmem:$0x1FAB0];
	_ =	sdelay $0x4  }
0x190: {  	v4 =	vadd.f32 v2, v4;
	v2 =	vld [tilespmem:$0x1FAC0];
	_ =	sdelay $0x4  }
0x191: {  	v19 =	vadd.f32 v2, v19;
	v2 =	vld [tilespmem:$0x1FAD0];
	_ =	sdelay $0x4  }
0x192: {  	v16 =	vadd.f32 v2, v16;
	v2 =	vld [tilespmem:$0x1FAE0];
	_ =	sdelay $0x4  }
0x193: {  	v13 =	vadd.f32 v2, v13;
	v2 =	vld [tilespmem:$0x1FAF0];
	_ =	sdelay $0x4  }
0x194: {  	v2 =	vadd.f32 v2, v4;
	_ =	sdelay $0x1  }
0x195: {  	[tilespmem:$0x1FFC0] =	vst v2;
	v2 =	vld [tilespmem:$0x1FB00];
	_ =	sdelay $0x4  }
0x196: {  	v58 =	vadd.f32 v2, v19;
	v2 =	vld [tilespmem:$0x1FB10];
	_ =	sdelay $0x4  }
0x197: {  	v2 =	vadd.f32 v2, v16;
	_ =	sdelay $0x1  }
0x198: {  	[tilespmem:$0x1FFD0] =	vst v2;
	v2 =	vld [tilespmem:$0x1FB20];
	_ =	sdelay $0x4  }
0x199: {  	v13 =	vadd.f32 v2, v13;
	v2 =	vld [tilespmem:$0x1FB30];
	_ =	sdelay $0x4  }
0x19a: {  	v2 =	vadd.f32 v2, v58  }
0x19b: {  	v59 =	vld [tilespmem:$0x1FB50]  }
0x19c: {  	[tilespmem:$0x1FFE0] =	vst v2;
	v2 =	vld [tilespmem:$0x1FB40];
	_ =	sdelay $0x4  }
0x19d: {  	v4 =	vadd.f32 v59, v2;
	v2 =	vld [tilespmem:$0x1FB60];
	_ =	sdelay $0x4  }
0x19e: {  	v2 =	vadd.f32 v2, v13  }
0x19f: {  	v61 =	vld [tilespmem:$0x1FB80]  }
0x1a0: {  	[tilespmem:$0x1FFF0] =	vst v2;
	v2 =	vld [tilespmem:$0x1FB70];
	_ =	sdelay $0x4  }
0x1a1: {  	v62 =	vadd.f32 v61, v2;
	v2 =	vld [tilespmem:$0x1FB90];
	_ =	sdelay $0x2  }
0x1a2: {  	v26 =	vld [tilespmem:$0x3B60]  }
0x1a3: {  	v8 =	vld [tilespmem:$0x1FBB0]  }
0x1a4: {  	v4 =	vadd.f32 v2, v4;
	v2 =	vld [tilespmem:$0x1FBA0]  }
0x1a5: {  	v6 =	vld [tilespmem:$0x28B0]  }
0x1a6: {  	v32 =	vld [tilespmem:$0x29F0]  }
0x1a7: {  	v9 =	vld [tilespmem:$0x2C70]  }
0x1a8: {  	v3 =	vld [tilespmem:$0x2B30]  }
0x1a9: {  	v10 =	vadd.f32 v8, v2;
	v2 =	vld [tilespmem:$0x1FBC0]  }
0x1aa: {  	v20 =	vld [tilespmem:$0x2DB0]  }
0x1ab: {  	v42 =	vld [tilespmem:$0x3170];
	v6 =	vadd.f32 v32, v6  }
0x1ac: {  	v5 =	vld [tilespmem:$0x36B0]  }
0x1ad: {  	v3 =	vadd.f32 v3, v6;
	v23 =	vld [tilespmem:$0x38F0]  }
0x1ae: {  	v13 =	vadd.f32 v2, v62;
	v2 =	vld [tilespmem:$0x1FBD0]  }
0x1af: {  	v29 =	vld [tilespmem:$0x2C90];
	v3 =	vadd.f32 v9, v3  }
0x1b0: {  	v31 =	vld [tilespmem:$0x31A0]  }
0x1b1: {  	v3 =	vadd.f32 v20, v3;
	v20 =	vld [tilespmem:$0x2B70]  }
0x1b2: {  	v12 =	vld [tilespmem:$0x3530]  }
0x1b3: {  	v4 =	vadd.f32 v2, v4;
	v2 =	vld [tilespmem:$0x1FBE0]  }
0x1b4: {  	v27 =	vld [tilespmem:$0x3050]  }
0x1b5: {  	v22 =	vld [tilespmem:$0x3BA0]  }
0x1b6: {  	v21 =	vld [tilespmem:$0x3A60]  }
0x1b7: {  	v30 =	vld [tilespmem:$0x36A0]  }
0x1b8: {  	v11 =	vadd.f32 v2, v10;
	v2 =	vld [tilespmem:$0x1FBF0]  }
0x1b9: {  	v25 =	vld [tilespmem:$0x2DD0]  }
0x1ba: {  	v60 =	vld [tilespmem:$0x3A50]  }
0x1bb: {  	v37 =	vld [tilespmem:$0x32D0]  }
0x1bc: {  	v35 =	vld [tilespmem:$0x3560]  }
0x1bd: {  	v13 =	vadd.f32 v2, v13;
	v2 =	vld [tilespmem:$0x1FC00]  }
0x1be: {  	v45 =	vld [tilespmem:$0x32E0]  }
0x1bf: {  	v53 =	vld [tilespmem:$0x2CA0]  }
0x1c0: {  	v44 =	vld [tilespmem:$0x2A10]  }
0x1c1: {  	v48 =	vld [tilespmem:$0x37D0]  }
0x1c2: {  	v15 =	vadd.f32 v2, v4;
	v2 =	vld [tilespmem:$0x1FC10]  }
0x1c3: {  	v33 =	vld [tilespmem:$0x2EF0]  }
0x1c4: {  	v14 =	vld [tilespmem:$0x3030]  }
0x1c5: {  	v54 =	vld [tilespmem:$0x33F0]  }
0x1c6: {  	v41 =	vld [tilespmem:$0x32B0]  }
0x1c7: {  	v32 =	vadd.f32 v2, v11;
	v2 =	vld [tilespmem:$0x1FC20]  }
0x1c8: {  	v18 =	vld [tilespmem:$0x37E0]  }
0x1c9: {  	v3 =	vadd.f32 v33, v3;
	v33 =	vld [tilespmem:$0x2DF0]  }
0x1ca: {  	v28 =	vld [tilespmem:$0x3190]  }
0x1cb: {  	v24 =	vld [tilespmem:$0x1FCE0]  }
0x1cc: {  	v57 =	vadd.f32 v2, v13;
	v2 =	vld [tilespmem:$0x1FC30]  }
0x1cd: {  	v7 =	vld [tilespmem:$0x2B80];
	v3 =	vadd.f32 v14, v3  }
0x1ce: {  	v63 =	vld [tilespmem:$0x37B0]  }
0x1cf: {  	v36 =	vld [tilespmem:$0x3420];
	v3 =	vadd.f32 v42, v3  }
0x1d0: {  	v42 =	vld [tilespmem:$0x32F0]  }
0x1d1: {  	v3 =	vadd.f32 v41, v3;
	v6 =	vadd.f32 v2, v15;
	v2 =	vld [tilespmem:$0x1FC40]  }
0x1d2: {  	v41 =	vld [tilespmem:$0x3570]  }
0x1d3: {  	v3 =	vadd.f32 v54, v3;
	v54 =	vld [tilespmem:$0x37F0]  }
0x1d4: {  	v50 =	vld [tilespmem:$0x28E0]  }
0x1d5: {  	v51 =	vld [tilespmem:$0x2A20]  }
0x1d6: {  	v16 =	vadd.f32 v2, v32;
	v2 =	vld [tilespmem:$0x1FC50]  }
0x1d7: {  	v52 =	vld [tilespmem:$0x2B60]  }
0x1d8: {  	v38 =	vld [tilespmem:$0x28D0]  }
0x1d9: {  	v39 =	vld [tilespmem:$0x2B50]  }
0x1da: {  	v50 =	vadd.f32 v51, v50;
	v56 =	vld [tilespmem:$0x2DE0]  }
0x1db: {  	v17 =	vadd.f32 v2, v57;
	v2 =	vld [tilespmem:$0x1FC60]  }
0x1dc: {  	v43 =	vld [tilespmem:$0x3550];
	v50 =	vadd.f32 v52, v50  }
0x1dd: {  	v49 =	vld [tilespmem:$0x2F20]  }
0x1de: {  	v46 =	vld [tilespmem:$0x3690];
	v50 =	vadd.f32 v53, v50  }
0x1df: {  	v47 =	vld [tilespmem:$0x3060]  }
0x1e0: {  	v50 =	vadd.f32 v56, v50;
	v6 =	vadd.f32 v2, v6;
	v2 =	vld [tilespmem:$0x1FC70]  }
0x1e1: {  	v34 =	vld [tilespmem:$0x2F10]  }
0x1e2: {  	v40 =	vld [tilespmem:$0x3410];
	v49 =	vadd.f32 v49, v50  }
0x1e3: {  	v56 =	vld [tilespmem:$0x1FED0]  }
0x1e4: {  	v50 =	vld [tilespmem:$0x2A50];
	v47 =	vadd.f32 v47, v49  }
0x1e5: {  	v9 =	vadd.f32 v2, v16;
	v2 =	vld [tilespmem:$0x1FC80]  }
0x1e6: {  	v49 =	vld [tilespmem:$0x2CD0];
	v31 =	vadd.f32 v31, v47  }
0x1e7: {  	v47 =	vld [tilespmem:$0x2F50]  }
0x1e8: {  	v53 =	vld [tilespmem:$0x1FF40];
	v31 =	vadd.f32 v45, v31  }
0x1e9: {  	v45 =	vld [tilespmem:$0x31D0]  }
0x1ea: {  	v31 =	vadd.f32 v36, v31;
	v32 =	vadd.f32 v2, v17;
	v2 =	vld [tilespmem:$0x1FC90]  }
0x1eb: {  	v36 =	vld [tilespmem:$0x3450]  }
0x1ec: {  	v31 =	vadd.f32 v35, v31;
	v35 =	vld [tilespmem:$0x36D0]  }
0x1ed: {  	v19 =	vld [tilespmem:$0x3920]  }
0x1ee: {  	v30 =	vadd.f32 v30, v31;
	v31 =	vld [tilespmem:$0x3950]  }
0x1ef: {  	v6 =	vadd.f32 v2, v6;
	v2 =	vld [tilespmem:$0x1FCA0]  }
0x1f0: {  	v18 =	vadd.f32 v18, v30;
	v58 =	vld [tilespmem:$0x28F0]  }
0x1f1: {  	v59 =	vld [tilespmem:$0x2A30]  }
0x1f2: {  	v30 =	vld [tilespmem:$0x3BD0];
	v18 =	vadd.f32 v19, v18  }
0x1f3: {  	v55 =	vld [tilespmem:$0x3910]  }
0x1f4: {  	v18 =	vadd.f32 v21, v18;
	v9 =	vadd.f32 v2, v9;
	v2 =	vld [tilespmem:$0x1FCB0]  }
0x1f5: {  	v21 =	vld [tilespmem:$0x31F0]  }
0x1f6: {  	v18 =	vadd.f32 v22, v18;
	v22 =	vld [tilespmem:$0x3320];
	v58 =	vadd.f32 v59, v58  }
0x1f7: {  	v59 =	vld [tilespmem:$0x1FEA0]  }
0x1f8: {  	v51 =	vadd.f32 v20, v58;
	v58 =	vld [tilespmem:$0x1FEB0]  }
0x1f9: {  	v32 =	vadd.f32 v2, v32;
	v2 =	vld [tilespmem:$0x1FCC0]  }
0x1fa: {  	v20 =	vld [tilespmem:$0x3940]  }
0x1fb: {  	v61 =	vld [tilespmem:$0x2F30]  }
0x1fc: {  	v8 =	vld [tilespmem:$0x3930]  }
0x1fd: {  	v62 =	vld [tilespmem:$0x3070]  }
0x1fe: {  	v6 =	vadd.f32 v2, v6;
	v2 =	vld [tilespmem:$0x1FCD0]  }
0x1ff: {  	v11 =	vld [tilespmem:$0x1FCF0]  }
0x200: {  	v13 =	vld [tilespmem:$0x1FD00]  }
0x201: {  	v15 =	vld [tilespmem:$0x1FD10]  }
0x202: {  	v17 =	vld [tilespmem:$0x1FD30]  }
0x203: {  	v10 =	vld [tilespmem:$0x1FD60];
	v9 =	vadd.f32 v2, v9  }
0x204: {  	v16 =	vld [tilespmem:$0x1FD20];
	v32 =	vadd.f32 v24, v32  }
0x205: {  	v24 =	vld [tilespmem:$0x1FD40];
	v9 =	vadd.f32 v13, v9  }
0x206: {  	v14 =	vadd.f32 v15, v32;
	v15 =	vld [tilespmem:$0x1FD90]  }
0x207: {  	v6 =	vadd.f32 v11, v6;
	v11 =	vld [tilespmem:$0x1FD70];
	v9 =	vadd.f32 v17, v9  }
0x208: {  	v4 =	vld [tilespmem:$0x3430]  }
0x209: {  	v6 =	vadd.f32 v16, v6;
	v16 =	vld [tilespmem:$0x1FDA0];
	v9 =	vadd.f32 v10, v9  }
0x20a: {  	v57 =	vld [tilespmem:$0x2CB0];
	v14 =	vadd.f32 v24, v14  }
0x20b: {  	v9 =	vadd.f32 v15, v9;
	v15 =	vld [tilespmem:$0x1FDE0]  }
0x20c: {  	v32 =	vld [tilespmem:$0x1FD50];
	v14 =	vadd.f32 v11, v14  }
0x20d: {  	v24 =	vld [tilespmem:$0x1FDB0]  }
0x20e: {  	v17 =	vadd.f32 v16, v14;
	v10 =	vld [tilespmem:$0x1FDD0]  }
0x20f: {  	v13 =	vld [tilespmem:$0x1FD80]  }
0x210: {  	v3 =	vadd.f32 v12, v3;
	v12 =	vadd.f32 v15, v17;
	v17 =	vld [tilespmem:$0x1FE00]  }
0x211: {  	v51 =	vadd.f32 v57, v51;
	v6 =	vadd.f32 v32, v6;
	v32 =	vld [tilespmem:$0x1FDC0]  }
0x212: {  	v3 =	vadd.f32 v24, v3;
	v24 =	vld [tilespmem:$0x1FE10]  }
0x213: {  	v33 =	vadd.f32 v33, v51;
	v16 =	vld [tilespmem:$0x1FDF0];
	v9 =	vadd.f32 v10, v9  }
0x214: {  	v3 =	vadd.f32 v63, v3;
	v63 =	vld [tilespmem:$0x1FE20];
	v6 =	vadd.f32 v13, v6  }
0x215: {  	v9 =	vadd.f32 v17, v9;
	v17 =	vld [tilespmem:$0x1FE30]  }
0x216: {  	v57 =	vadd.f32 v61, v33;
	v33 =	vld [tilespmem:$0x2B90];
	v6 =	vadd.f32 v32, v6  }
0x217: {  	v12 =	vadd.f32 v24, v12;
	v24 =	vld [tilespmem:$0x1FE50]  }
0x218: {  	v61 =	vld [tilespmem:$0x1FF00];
	v6 =	vadd.f32 v16, v6  }
0x219: {  	v2 =	vld [tilespmem:$0x31B0];
	v3 =	vadd.f32 v23, v3  }
0x21a: {  	v14 =	vld [tilespmem:$0x2900];
	v63 =	vadd.f32 v63, v6;
	v6 =	vadd.f32 v17, v9  }
0x21b: {  	v32 =	vld [tilespmem:$0x2A40]  }
0x21c: {  	v3 =	vadd.f32 v24, v3;
	v24 =	vadd.f32 v26, v6;
	v6 =	vld [tilespmem:$0x1FE60]  }
0x21d: {  	v26 =	vld [tilespmem:$0x1FE70]  }
0x21e: {  	v11 =	vld [tilespmem:$0x3A70]  }
0x21f: {  	v23 =	vld [tilespmem:$0x1FE40]  }
0x220: {  	v13 =	vld [tilespmem:$0x3BB0]  }
0x221: {  	v10 =	vld [tilespmem:$0x2CC0]  }
0x222: {  	v14 =	vadd.f32 v32, v14;
	v6 =	vadd.f32 v26, v6;
	v26 =	vld [tilespmem:$0x1FE80]  }
0x223: {  	v16 =	vld [tilespmem:$0x31C0]  }
0x224: {  	v15 =	vld [tilespmem:$0x2E00];
	v7 =	vadd.f32 v7, v14  }
0x225: {  	v32 =	vld [tilespmem:$0x1FF80]  }
0x226: {  	v7 =	vadd.f32 v10, v7;
	v9 =	vld [tilespmem:$0x2F40]  }
0x227: {  	v26 =	vadd.f32 v26, v3;
	v3 =	vadd.f32 v44, v38;
	v44 =	vld [tilespmem:$0x1FE90]  }
0x228: {  	v23 =	vadd.f32 v23, v12;
	v12 =	vld [tilespmem:$0x3080]  }
0x229: {  	v7 =	vadd.f32 v15, v7;
	v17 =	vld [tilespmem:$0x3300];
	v3 =	vadd.f32 v39, v3  }
0x22a: {  	v38 =	vld [tilespmem:$0x3580]  }
0x22b: {  	v7 =	vadd.f32 v9, v7;
	v39 =	vld [tilespmem:$0x36C0];
	v3 =	vadd.f32 v29, v3  }
0x22c: {  	v29 =	vld [tilespmem:$0x3800];
	v6 =	vadd.f32 v44, v6  }
0x22d: {  	v7 =	vadd.f32 v12, v7;
	v44 =	vld [tilespmem:$0x3440];
	v25 =	vadd.f32 v25, v3  }
0x22e: {  	v3 =	vld [tilespmem:$0x1FEC0];
	v6 =	vadd.f32 v59, v6  }
0x22f: {  	v7 =	vadd.f32 v16, v7;
	v25 =	vadd.f32 v34, v25;
	v34 =	vld [tilespmem:$0x2910]  }
0x230: {  	v59 =	vadd.f32 v58, v6;
	v6 =	vld [tilespmem:$0x3A80]  }
0x231: {  	v7 =	vadd.f32 v17, v7;
	v58 =	vld [tilespmem:$0x1FEE0]  }
0x232: {  	v25 =	vadd.f32 v27, v25;
	v27 =	vadd.f32 v62, v57;
	v62 =	vld [tilespmem:$0x1FF10]  }
0x233: {  	v57 =	vld [tilespmem:$0x1FF50]  }
0x234: {  	v7 =	vadd.f32 v44, v7;
	v44 =	vld [tilespmem:$0x35B0]  }
0x235: {  	v52 =	vadd.f32 v3, v59;
	v3 =	vld [tilespmem:$0x3BC0]  }
0x236: {  	v59 =	vld [tilespmem:$0x1FEF0]  }
0x237: {  	v25 =	vadd.f32 v28, v25;
	v28 =	vld [tilespmem:$0x2E10]  }
0x238: {  	v2 =	vadd.f32 v2, v27;
	v27 =	vld [tilespmem:$0x3090]  }
0x239: {  	v51 =	vadd.f32 v56, v52;
	v52 =	vld [tilespmem:$0x1FF30]  }
0x23a: {  	v56 =	vld [tilespmem:$0x2920]  }
0x23b: {  	v50 =	vadd.f32 v50, v34;
	v34 =	vld [tilespmem:$0x1FF90]  }
0x23c: {  	v25 =	vadd.f32 v37, v25;
	v2 =	vadd.f32 v42, v2;
	v42 =	vld [tilespmem:$0x35A0]  }
0x23d: {  	v51 =	vadd.f32 v58, v51;
	v58 =	vld [tilespmem:$0x2A60]  }
0x23e: {  	v25 =	vadd.f32 v40, v25;
	v40 =	vld [tilespmem:$0x3310]  }
0x23f: {  	v2 =	vadd.f32 v4, v2;
	v4 =	vld [tilespmem:$0x3590]  }
0x240: {  	v51 =	vadd.f32 v59, v51;
	v59 =	vld [tilespmem:$0x2930]  }
0x241: {  	v2 =	vadd.f32 v41, v2;
	v41 =	vld [tilespmem:$0x3810]  }
0x242: {  	v25 =	vadd.f32 v43, v25;
	v43 =	vld [tilespmem:$0x1FFA0]  }
0x243: {  	v37 =	vadd.f32 v61, v51;
	v51 =	vld [tilespmem:$0x1FF20]  }
0x244: {  	v61 =	vld [tilespmem:$0x2A70]  }
0x245: {  	v25 =	vadd.f32 v46, v25;
	v2 =	vadd.f32 v5, v2;
	v5 =	vld [tilespmem:$0x3A90]  }
0x246: {  	v46 =	vld [tilespmem:$0x2BA0];
	v37 =	vadd.f32 v62, v37  }
0x247: {  	v62 =	vld [tilespmem:$0x1FF70];
	v25 =	vadd.f32 v48, v25;
	v2 =	vadd.f32 v54, v2  }
0x248: {  	v48 =	vld [tilespmem:$0x2BB0];
	v37 =	vadd.f32 v51, v37  }
0x249: {  	v54 =	vld [tilespmem:$0x2E20];
	v25 =	vadd.f32 v55, v25;
	v2 =	vadd.f32 v8, v2  }
0x24a: {  	v51 =	vld [tilespmem:$0x2CE0];
	v8 =	vadd.f32 v61, v59;
	v37 =	vadd.f32 v52, v37  }
0x24b: {  	v59 =	vld [tilespmem:$0x30A0];
	v25 =	vadd.f32 v60, v25;
	v2 =	vadd.f32 v11, v2  }
0x24c: {  	v52 =	vadd.f32 v58, v56;
	v37 =	vadd.f32 v53, v37;
	v53 =	vld [tilespmem:$0x2CF0]  }
0x24d: {  	v60 =	vld [tilespmem:$0x1FF60];
	v2 =	vadd.f32 v13, v2;
	v13 =	vadd.f32 v33, v50  }
0x24e: {  	v56 =	vld [tilespmem:$0x2E30];
	v8 =	vadd.f32 v48, v8;
	v55 =	vadd.f32 v46, v52  }
0x24f: {  	v37 =	vadd.f32 v57, v37;
	v13 =	vadd.f32 v49, v13;
	v57 =	vld [tilespmem:$0x2F60]  }
0x250: {  	v58 =	vld [tilespmem:$0x2F70];
	v25 =	vadd.f32 v62, v25;
	v10 =	vadd.f32 v51, v55  }
0x251: {  	v61 =	vld [tilespmem:$0x30B0];
	v13 =	vadd.f32 v28, v13;
	v8 =	vadd.f32 v53, v8  }
0x252: {  	v48 =	vld [tilespmem:$0x36F0];
	v37 =	vadd.f32 v60, v37;
	v60 =	vadd.f32 v54, v10  }
0x253: {  	v62 =	vld [tilespmem:$0x31E0];
	v13 =	vadd.f32 v47, v13;
	v8 =	vadd.f32 v56, v8  }
0x254: {  	v7 =	vadd.f32 v38, v7;
	v33 =	vld [tilespmem:$0x3470];
	v9 =	vadd.f32 v57, v60  }
0x255: {  	v46 =	vld [tilespmem:$0x36E0];
	v13 =	vadd.f32 v27, v13;
	v8 =	vadd.f32 v58, v8  }
0x256: {  	v7 =	vadd.f32 v39, v7;
	v27 =	vld [tilespmem:$0x3330];
	v9 =	vadd.f32 v59, v9  }
0x257: {  	v28 =	vld [tilespmem:$0x3460];
	v13 =	vadd.f32 v45, v13;
	v8 =	vadd.f32 v61, v8  }
0x258: {  	[tilespmem:$0x3CE0] =	vst v18;
	v7 =	vadd.f32 v29, v7;
	v50 =	vld [tilespmem:$0x3820];
	v9 =	vadd.f32 v62, v9  }
0x259: {  	[tilespmem:$0x3C80] =	vst v63;
	v52 =	vld [tilespmem:$0x3830];
	v13 =	vadd.f32 v40, v13;
	v8 =	vadd.f32 v21, v8  }
0x25a: {  	[tilespmem:$0x3C00] =	vst v32;
	v7 =	vadd.f32 v20, v7;
	v49 =	vld [tilespmem:$0x1FFD0];
	v9 =	vadd.f32 v22, v9  }
0x25b: {  	[tilespmem:$0x3C90] =	vst v23;
	v51 =	vld [tilespmem:$0x1FFE0];
	v13 =	vadd.f32 v36, v13;
	v8 =	vadd.f32 v27, v8  }
0x25c: {  	[tilespmem:$0x3CA0] =	vst v24;
	v6 =	vadd.f32 v6, v7;
	v55 =	vld [tilespmem:$0x3970];
	v9 =	vadd.f32 v28, v9  }
0x25d: {  	[tilespmem:$0x3CB0] =	vst v26;
	v54 =	vld [tilespmem:$0x3960];
	v4 =	vadd.f32 v4, v13;
	v8 =	vadd.f32 v33, v8  }
0x25e: {  	[tilespmem:$0x3C10] =	vst v34;
	v3 =	vadd.f32 v3, v6;
	v53 =	vld [tilespmem:$0x1FFF0];
	v9 =	vadd.f32 v42, v9  }
0x25f: {  	[tilespmem:$0x3C20] =	vst v43;
	v47 =	vld [tilespmem:$0x1FFC0];
	v4 =	vadd.f32 v35, v4;
	v8 =	vadd.f32 v44, v8  }
0x260: {  	[tilespmem:$0x3D00] =	vst v3;
	v56 =	vld [tilespmem:$0x3AA0];
	v9 =	vadd.f32 v46, v9  }
0x261: {  	[tilespmem:$0x3CD0] =	vst v25;
	v57 =	vld [tilespmem:$0x3AB0];
	v4 =	vadd.f32 v41, v4;
	v8 =	vadd.f32 v48, v8  }
0x262: {  	[tilespmem:$0x3CF0] =	vst v2;
	v58 =	vld [tilespmem:$0x3BE0];
	v9 =	vadd.f32 v50, v9  }
0x263: {  	[tilespmem:$0x3CC0] =	vst v37;
	v45 =	vld [tilespmem:$0x1FFB0];
	v4 =	vadd.f32 v31, v4;
	v8 =	vadd.f32 v52, v8  }
0x264: {  	[tilespmem:$0x3C50] =	vst v49;
	v60 =	vld [tilespmem:$0x3BF0];
	v59 =	vadd.f32 v54, v9  }
0x265: {  	[tilespmem:$0x3C60] =	vst v51;
	v4 =	vadd.f32 v5, v4;
	v61 =	vadd.f32 v55, v8  }
0x266: {  	[tilespmem:$0x3C70] =	vst v53;
	v62 =	vadd.f32 v56, v59  }
0x267: {  	[tilespmem:$0x3C40] =	vst v47;
	v2 =	vadd.f32 v30, v4;
	v63 =	vadd.f32 v57, v61  }
0x268: {  	[tilespmem:$0x3C30] =	vst v45;
	v3 =	vadd.f32 v58, v62  }
0x269: {  	s2 =	sadd.s32 $0x1, s2;
	[tilespmem:$0x3D10] =	vst v2;
	v2 =	vadd.f32 v60, v63  }
0x26a: {  	p0 =	sne.s32 s2, s22;
	[tilespmem:$0x3D20] =	vst v3  }
.Ltmp2:
0x26b: {  	s26 =	simm.s32 $0x0;
	[tilespmem:$0x3D30] =	vst v2;
	(pc) =	sbr.rel @p0 .LBB2_1-.Ltmp2, $4  }
0x26c: {  	[hbm4b:s21+s26] =	stream.linear.scatter [tilespmem:s0], [sflag:$0x1], $0x140, $0x38;
	[tilespmem:$0x5180] =	vst v63  }
0x26d: {  	_ =	swait.ge [sflag:s23], $0x140  }
0x26e: {  	[sflag:s23] =	ssyncset.done $0x0  }
0x26f: {  	[sflag:s23] =	ssyncadd.s32 $0xFFFFFEC0  }
0x270: {  	_ =	sfence.sel $0x180000  }
0x271: {  	[bflag:$0x0] =	sbarrier.arrive $0xFFFF  }
0x272: {  	_ =	strace $0x90000047  }
0x273: {  	s0 =	stileid.u32;
	[bflag:$0x2] =	sbarrier.arrive $0xFFFF  }
0x274: {  	p0 =	sne.s32 s0, $0x0;
	s0 =	rddreg [dreg:$0x3]  }
0x275: {  	s0 =	sadd.s32 @!p0 $0x100000, s0  }
0x276: {  	[sflag:s0] =	ssyncadd.tile.s32 @!p0 $0x1;
	_ =	shalt  }
.Lfunc_end2:
_tile_overlayer_lowered:
.L_overlay_start_2:
0x277: {  	(tag) =	ssettag $0x2  }
0x278: {  	s0 =	rddreg [dreg:$0x0];
	s2 =	stileid.u32  }
0x279: {  	s1 =	rddreg [dreg:$0x1];
	p0 =	sne.s32 s2, $0x0  }
0x27a: {  	s3 =	rddreg [dreg:$0x2];
	[bflag:$0x3] =	sbarrier.arrive $0xFFFF;
	s2 =	simm.s32 @!p0 $0x1C01  }
0x27b: {  	[timem:s3], [sflag:s2] =	dma.local @!p0 [hbm:s0], s1  }
0x27c: {  	s0 =	simm.s32 @!p0 $0x1  }
0x27d: {  	_ =	swait.ge @!p0 [sflag:s0], s1  }
0x27e: {  	s1 =	ssub.s32 @!p0 $0x0, s1;
	[sflag:s0] =	ssyncset.done @!p0 $0x0  }
0x27f: {  	[sflag:s0] =	ssyncadd.s32 @!p0 s1  }
0x280: {  	[bflag:$0x3] =	sbarrier.arrive $0xFFFF  }
0x281: {  	_ =	shalt  }

</sc_bundles>
